<compile_context>
chip_gen: v7x
topology: tpu7x:2x2x1
jax: 0.10.2.dev20260603
libtpu: 0.0.44.dev20260713+nightly
codegen_flags: <defaults>
</compile_context>

<pallas_src>
import functools

import jax
import jax.numpy as jnp
from jax import lax
from jax.experimental import pallas as pl
from jax.experimental.pallas import tpu as pltpu
from jax.experimental.pallas import tpu_sc as plsc

NUM_CORES = 2
NUM_SUBCORES = 16
NUM_WORKERS = NUM_CORES * NUM_SUBCORES
CHUNK = 20
N_HBM = 9


@functools.lru_cache(maxsize=None)
def _build(bs, pos_len, table_len, d_model):
    rows = bs // NUM_WORKERS
    mesh = plsc.VectorSubcoreMesh(core_axis_name="c", subcore_axis_name="s")

    @functools.partial(
        pl.kernel,
        mesh=mesh,
        out_type=jax.ShapeDtypeStruct((bs, d_model), jnp.float32),
        scratch_types=[
            pltpu.VMEM((pos_len, rows), jnp.int32),
            pltpu.VMEM((rows, d_model), jnp.float32),
            pltpu.VMEM_SHARED((table_len, d_model), jnp.float32),
            pltpu.SemaphoreType.DMA,
            pltpu.SemaphoreType.DMA,
        ],
    )
    def run(x_hbm, post_hbm, tab_hbm, out_hbm, pos_v, acc_v, tab_sh, sem_h, sem_s):
        wid = lax.axis_index("s") * NUM_CORES + lax.axis_index("c")
        base = wid * rows

        sid = lax.axis_index("s")
        shard = table_len // NUM_SUBCORES
        srem = table_len - shard * NUM_SUBCORES
        pltpu.sync_copy(tab_hbm.at[pl.ds(sid * shard, shard)],
                        tab_sh.at[pl.ds(sid * shard, shard)])
        if srem:
            @pl.when(sid == NUM_SUBCORES - 1)
            def _():
                pltpu.sync_copy(
                    tab_hbm.at[pl.ds(shard * NUM_SUBCORES, srem)],
                    tab_sh.at[pl.ds(shard * NUM_SUBCORES, srem)])

        pltpu.sync_copy(post_hbm.at[:, pl.ds(base, rows)], pos_v)
        pltpu.sync_copy(x_hbm.at[pl.ds(base, rows), :], acc_v)
        plsc.subcore_barrier()

        def fire(k, j):
            if j % CHUNK >= N_HBM:
                pltpu.async_copy(tab_sh.at[pos_v.at[k]], acc_v, sem_s,
                                 add=True)
            else:
                pltpu.async_copy(tab_hbm.at[pos_v.at[k]], acc_v, sem_h,
                                 add=True)

        def drain_one(j):
            if j % CHUNK >= N_HBM:
                pltpu.make_async_copy(
                    tab_sh.at[pos_v.at[0]], acc_v, sem_s).wait()
            else:
                pltpu.make_async_copy(
                    tab_hbm.at[pos_v.at[0]], acc_v, sem_h).wait()

        nfull = pos_len // CHUNK
        rem = pos_len - nfull * CHUNK

        def chunk_body(c, carry):
            k0 = c * CHUNK
            for j in range(CHUNK):
                fire(k0 + j, j)

            @pl.when(c > 0)
            def _():
                for j in range(CHUNK):
                    drain_one(j)

            return carry

        lax.fori_loop(0, nfull, chunk_body, 0)
        for j in range(rem):
            fire(nfull * CHUNK + j, j)
        for j in range(CHUNK):
            drain_one(j)
        for j in range(rem):
            drain_one(j)
        pltpu.sync_copy(acc_v, out_hbm.at[pl.ds(base, rows), :])

    return run


def kernel(x, positions, pe):
    table = pe[0]
    table_len, d_model = table.shape
    bs, pos_len = positions.shape
    pos_t = ((positions.astype(jnp.int32) + table_len) % table_len).T
    return _build(bs, pos_len, table_len, d_model)(x, pos_t, table)

# --- scband reference (transcript-rebuilt; emitter-appended) ---
"""Pipeline reference for scband-positional-encoding-15771119911164 (READ-ONLY COPY).

The authoritative reference and input builder live on the scoring server;
editing this copy changes nothing except your own understanding.
"""

import jax, jax.numpy as jnp
import numpy as np
import math

MAX_LEN = 8192
D_MODEL = 128
BS = 4096
POS_LEN = 200

def make_pe(max_len, d_model):
    position = np.arange(0, max_len, dtype=np.float32)[:, None]
    div_term = np.exp(np.arange(0, d_model, 2, dtype=np.float32) * -(math.log(10000.0) / d_model))
    pe = np.zeros((max_len, d_model), dtype=np.float32)
    pe[:, 0::2] = np.sin(position * div_term)
    pe[:, 1::2] = np.cos(position * div_term)
    pe = np.concatenate([pe, np.zeros((1, d_model), dtype=np.float32)], axis=0)
    return jnp.asarray(pe)[None]  # [1, max_len+1, d_model]

def setup_inputs(seed: int = 0) -> dict:
    key = jax.random.key(seed)
    k1, k2 = jax.random.split(key)
    x = jax.random.normal(k1, (BS, D_MODEL), dtype=jnp.float32)
    positions = jax.random.randint(k2, (BS, POS_LEN), 0, MAX_LEN, dtype=jnp.int64 if jax.config.jax_enable_x64 else jnp.int32).astype(jnp.int32)
    pe = make_pe(MAX_LEN, D_MODEL)
    return {"x": x, "positions": positions, "pe": pe}

def reference(x, positions, pe):
    bs, d_model = x.shape
    _, pos_len = positions.shape
    table_len = pe.shape[1]
    pos = (positions + table_len) % table_len
    # index_select along the table dimension (SparseCore-friendly gather)
    relevant = jnp.take(pe[0], pos.reshape(-1), axis=0)
    relevant = relevant.reshape(bs, pos_len, d_model)
    relevant = jnp.sum(relevant, axis=1)
    out = x + jax.lax.stop_gradient(relevant)
    # dropout is identity in eval mode
    return out

if __name__ == "__main__":
    import jax
    _d = setup_inputs()
    print(jax.jit(kernel)(*tuple(_d.values())))

</pallas_src>

<mosaic_0001>
#map = affine_map<(d0, d1) -> (0, 0)>
module attributes {stable_mosaic.version = 14 : i64} {
  func.func @run(%arg0: i32, %arg1: i32, %arg2: memref<4096x128xf32, #tpu.memory_space<hbm>>, %arg3: memref<200x4096xi32, #tpu.memory_space<hbm>>, %arg4: memref<8193x128xf32, #tpu.memory_space<hbm>>, %arg5: memref<4096x128xf32, #tpu.memory_space<hbm>>, %arg6: memref<200x128xi32, #tpu.memory_space<vmem>>, %arg7: memref<128x128xf32, #tpu.memory_space<vmem>>, %arg8: memref<8193x128xf32, #tpu.memory_space<vmem_shared>>, %arg9: memref<!tpu.dma_semaphore, #tpu.memory_space<semaphore_mem>>, %arg10: memref<!tpu.dma_semaphore, #tpu.memory_space<semaphore_mem>>) attributes {dimension_semantics = [#tpu.dimension_semantics<core_parallel>, #tpu.dimension_semantics<subcore_parallel>], iteration_bounds = array<i64: 2, 16>, scalar_prefetch = 0 : i64, scratch_operands = 5 : i64, tpu.core_type = #tpu.core_type<sc_vector_subcore>, window_params = [{transform_indices = #map}, {transform_indices = #map}, {transform_indices = #map}, {transform_indices = #map}]} {
    %mul3A = arith.constant 2 : i32
    %mul3A_0 = arith.muli %arg1, %mul3A : i32
    %add3A = arith.addi %mul3A_0, %arg0 : i32
    %mul3A_1 = arith.constant 128 : i32
    %mul3A_2 = arith.muli %add3A, %mul3A_1 : i32
    %mul3A_3 = arith.constant 512 : i32
    %mul3A_4 = arith.muli %arg1, %mul3A_3 : i32
    %mul3A_5 = arith.constant 512 : i32
    %mul3A_6 = arith.muli %arg1, %mul3A_5 : i32
    "tpu.region"() ({
      %run_scoped3A = tpu.sem_alloc : memref<!tpu.dma_semaphore, #tpu.memory_space<semaphore_mem>>
      %dma_start3A = arith.constant 0 : i32
      %dma_start3A_153 = tpu.memref_slice %arg8[%mul3A_6, %dma_start3A] : memref<8193x128xf32, #tpu.memory_space<vmem_shared>> -> memref<512x128xf32, #tpu.memory_space<vmem_shared>>
      %dma_start3A_154 = arith.constant 0 : i32
      %dma_start3A_155 = tpu.memref_slice %arg4[%mul3A_4, %dma_start3A_154] : memref<8193x128xf32, #tpu.memory_space<hbm>> -> memref<512x128xf32, #tpu.memory_space<hbm>>
      tpu.enqueue_dma source(%dma_start3A_155 : memref<512x128xf32, #tpu.memory_space<hbm>>) target(%dma_start3A_153 : memref<512x128xf32, #tpu.memory_space<vmem_shared>>) target_semaphore(%run_scoped3A : memref<!tpu.dma_semaphore, #tpu.memory_space<semaphore_mem>>)
      %dma_wait3A_156 = arith.constant 0 : i32
      %dma_wait3A_157 = tpu.memref_slice %arg8[%mul3A_6, %dma_wait3A_156] : memref<8193x128xf32, #tpu.memory_space<vmem_shared>> -> memref<512x128xf32, #tpu.memory_space<vmem_shared>>
      %dma_wait3A_158 = arith.constant 0 : i32
      %dma_wait3A_159 = tpu.memref_slice %arg4[%mul3A_4, %dma_wait3A_158] : memref<8193x128xf32, #tpu.memory_space<hbm>> -> memref<512x128xf32, #tpu.memory_space<hbm>>
      tpu.wait_dma2 semaphore(%run_scoped3A : memref<!tpu.dma_semaphore, #tpu.memory_space<semaphore_mem>>) src(%dma_wait3A_159 : memref<512x128xf32, #tpu.memory_space<hbm>>) dst(%dma_wait3A_157 : memref<512x128xf32, #tpu.memory_space<vmem_shared>>)
      tpu.yield
    }) : () -> ()
    %eq3A = arith.constant 15 : i32
    %eq3A_7 = arith.cmpi eq, %arg1, %eq3A : i32
    %convert_element_type3A = arith.extui %eq3A_7 : i1 to i32
    %cond3A = arith.constant 0 : i32
    %cond3A_8 = arith.cmpi ne, %convert_element_type3A, %cond3A : i32
    scf.if %cond3A_8 {
      "tpu.region"() ({
        %run_scoped3A = tpu.sem_alloc : memref<!tpu.dma_semaphore, #tpu.memory_space<semaphore_mem>>
        %dma_start3A = arith.constant 8192 : i32
        %dma_start3A_153 = arith.constant 0 : i32
        %dma_start3A_154 = tpu.memref_slice %arg8[%dma_start3A, %dma_start3A_153] : memref<8193x128xf32, #tpu.memory_space<vmem_shared>> -> memref<1x128xf32, #tpu.memory_space<vmem_shared>>
        %dma_start3A_155 = arith.constant 8192 : i32
        %dma_start3A_156 = arith.constant 0 : i32
        %dma_start3A_157 = tpu.memref_slice %arg4[%dma_start3A_155, %dma_start3A_156] : memref<8193x128xf32, #tpu.memory_space<hbm>> -> memref<1x128xf32, #tpu.memory_space<hbm>>
        tpu.enqueue_dma source(%dma_start3A_157 : memref<1x128xf32, #tpu.memory_space<hbm>>) target(%dma_start3A_154 : memref<1x128xf32, #tpu.memory_space<vmem_shared>>) target_semaphore(%run_scoped3A : memref<!tpu.dma_semaphore, #tpu.memory_space<semaphore_mem>>)
        %dma_wait3A_158 = arith.constant 8192 : i32
        %dma_wait3A_159 = arith.constant 0 : i32
        %dma_wait3A_160 = tpu.memref_slice %arg8[%dma_wait3A_158, %dma_wait3A_159] : memref<8193x128xf32, #tpu.memory_space<vmem_shared>> -> memref<1x128xf32, #tpu.memory_space<vmem_shared>>
        %dma_wait3A_161 = arith.constant 8192 : i32
        %dma_wait3A_162 = arith.constant 0 : i32
        %dma_wait3A_163 = tpu.memref_slice %arg4[%dma_wait3A_161, %dma_wait3A_162] : memref<8193x128xf32, #tpu.memory_space<hbm>> -> memref<1x128xf32, #tpu.memory_space<hbm>>
        tpu.wait_dma2 semaphore(%run_scoped3A : memref<!tpu.dma_semaphore, #tpu.memory_space<semaphore_mem>>) src(%dma_wait3A_163 : memref<1x128xf32, #tpu.memory_space<hbm>>) dst(%dma_wait3A_160 : memref<1x128xf32, #tpu.memory_space<vmem_shared>>)
        tpu.yield
      }) : () -> ()
    } else {
    }
    "tpu.region"() ({
      %run_scoped3A = tpu.sem_alloc : memref<!tpu.dma_semaphore, #tpu.memory_space<semaphore_mem>>
      %dma_start3A = arith.constant 0 : i32
      %dma_start3A_153 = tpu.memref_slice %arg3[%dma_start3A, %mul3A_2] : memref<200x4096xi32, #tpu.memory_space<hbm>> -> memref<200x128xi32, #tpu.memory_space<hbm>>
      %dma_start3A_154 = arith.constant 0 : i32
      %dma_start3A_155 = tpu.memref_slice %arg3[%dma_start3A_154, %mul3A_2] : memref<200x4096xi32, #tpu.memory_space<hbm>> -> memref<200x128xi32, #tpu.memory_space<hbm>>
      tpu.enqueue_dma source(%dma_start3A_155 : memref<200x128xi32, #tpu.memory_space<hbm>>) target(%arg6 : memref<200x128xi32, #tpu.memory_space<vmem>>) target_semaphore(%run_scoped3A : memref<!tpu.dma_semaphore, #tpu.memory_space<semaphore_mem>>)
      %dma_wait3A_156 = arith.constant 0 : i32
      %dma_wait3A_157 = tpu.memref_slice %arg3[%dma_wait3A_156, %mul3A_2] : memref<200x4096xi32, #tpu.memory_space<hbm>> -> memref<200x128xi32, #tpu.memory_space<hbm>>
      %dma_wait3A_158 = arith.constant 0 : i32
      %dma_wait3A_159 = tpu.memref_slice %arg3[%dma_wait3A_158, %mul3A_2] : memref<200x4096xi32, #tpu.memory_space<hbm>> -> memref<200x128xi32, #tpu.memory_space<hbm>>
      tpu.wait_dma2 semaphore(%run_scoped3A : memref<!tpu.dma_semaphore, #tpu.memory_space<semaphore_mem>>) src(%dma_wait3A_159 : memref<200x128xi32, #tpu.memory_space<hbm>>) dst(%arg6 : memref<200x128xi32, #tpu.memory_space<vmem>>)
      tpu.yield
    }) : () -> ()
    "tpu.region"() ({
      %run_scoped3A = tpu.sem_alloc : memref<!tpu.dma_semaphore, #tpu.memory_space<semaphore_mem>>
      %dma_start3A = arith.constant 0 : i32
      %dma_start3A_153 = tpu.memref_slice %arg2[%mul3A_2, %dma_start3A] : memref<4096x128xf32, #tpu.memory_space<hbm>> -> memref<128x128xf32, #tpu.memory_space<hbm>>
      %dma_start3A_154 = arith.constant 0 : i32
      %dma_start3A_155 = tpu.memref_slice %arg2[%mul3A_2, %dma_start3A_154] : memref<4096x128xf32, #tpu.memory_space<hbm>> -> memref<128x128xf32, #tpu.memory_space<hbm>>
      tpu.enqueue_dma source(%dma_start3A_155 : memref<128x128xf32, #tpu.memory_space<hbm>>) target(%arg7 : memref<128x128xf32, #tpu.memory_space<vmem>>) target_semaphore(%run_scoped3A : memref<!tpu.dma_semaphore, #tpu.memory_space<semaphore_mem>>)
      %dma_wait3A_156 = arith.constant 0 : i32
      %dma_wait3A_157 = tpu.memref_slice %arg2[%mul3A_2, %dma_wait3A_156] : memref<4096x128xf32, #tpu.memory_space<hbm>> -> memref<128x128xf32, #tpu.memory_space<hbm>>
      %dma_wait3A_158 = arith.constant 0 : i32
      %dma_wait3A_159 = tpu.memref_slice %arg2[%mul3A_2, %dma_wait3A_158] : memref<4096x128xf32, #tpu.memory_space<hbm>> -> memref<128x128xf32, #tpu.memory_space<hbm>>
      tpu.wait_dma2 semaphore(%run_scoped3A : memref<!tpu.dma_semaphore, #tpu.memory_space<semaphore_mem>>) src(%dma_wait3A_159 : memref<128x128xf32, #tpu.memory_space<hbm>>) dst(%arg7 : memref<128x128xf32, #tpu.memory_space<vmem>>)
      tpu.yield
    }) : () -> ()
    %barrier3A = arith.constant 0 : index
    tpu.barrier barrier_id(%barrier3A)
    %scan3A = arith.constant 0 : i32
    %scan3A_9 = arith.constant 0 : i32
    %scan3A_10 = arith.constant 10 : i32
    %scan3A_11 = arith.addi %scan3A_9, %scan3A_10 : i32
    %scan3A_12 = arith.constant 1 : i32
    scf.for %scan3A_153 = %scan3A_9 to %scan3A_11 step %scan3A_12  : i32 {
      %mul3A_154 = arith.constant 20 : i32
      %mul3A_155 = arith.muli %scan3A_153, %mul3A_154 : i32
      %add3A_156 = arith.constant 0 : i32
      %add3A_157 = arith.addi %mul3A_155, %add3A_156 : i32
      %dma_start3A = arith.constant 0 : i32
      %dma_start3A_158 = tpu.memref_slice %arg6[%add3A_157, %dma_start3A] : memref<200x128xi32, #tpu.memory_space<vmem>> -> memref<1x128xi32, #tpu.memory_space<vmem>>
      %dma_start3A_159 = tpu.memref_squeeze %dma_start3A_158 : memref<1x128xi32, #tpu.memory_space<vmem>> -> memref<128xi32, #tpu.memory_space<vmem>>
      %dma_start3A_160 = arith.constant 0 : i32
      %dma_start3A_161 = arith.constant 0 : i32
      %dma_start3A_162 = tpu.memref_slice %arg4[%dma_start3A_160, %dma_start3A_161] : memref<8193x128xf32, #tpu.memory_space<hbm>> -> memref<8193x128xf32, #tpu.memory_space<hbm>>
      tpu.enqueue_indirect_dma source(%dma_start3A_162 : memref<8193x128xf32, #tpu.memory_space<hbm>>) target(%arg7 : memref<128x128xf32, #tpu.memory_space<vmem>>) offsets(%dma_start3A_159 : memref<128xi32, #tpu.memory_space<vmem>>) semaphore(%arg9 : memref<!tpu.dma_semaphore, #tpu.memory_space<semaphore_mem>>) {add = true}
      %add3A_163 = arith.constant 1 : i32
      %add3A_164 = arith.addi %mul3A_155, %add3A_163 : i32
      %dma_start3A_165 = arith.constant 0 : i32
      %dma_start3A_166 = tpu.memref_slice %arg6[%add3A_164, %dma_start3A_165] : memref<200x128xi32, #tpu.memory_space<vmem>> -> memref<1x128xi32, #tpu.memory_space<vmem>>
      %dma_start3A_167 = tpu.memref_squeeze %dma_start3A_166 : memref<1x128xi32, #tpu.memory_space<vmem>> -> memref<128xi32, #tpu.memory_space<vmem>>
      %dma_start3A_168 = arith.constant 0 : i32
      %dma_start3A_169 = arith.constant 0 : i32
      %dma_start3A_170 = tpu.memref_slice %arg4[%dma_start3A_168, %dma_start3A_169] : memref<8193x128xf32, #tpu.memory_space<hbm>> -> memref<8193x128xf32, #tpu.memory_space<hbm>>
      tpu.enqueue_indirect_dma source(%dma_start3A_170 : memref<8193x128xf32, #tpu.memory_space<hbm>>) target(%arg7 : memref<128x128xf32, #tpu.memory_space<vmem>>) offsets(%dma_start3A_167 : memref<128xi32, #tpu.memory_space<vmem>>) semaphore(%arg9 : memref<!tpu.dma_semaphore, #tpu.memory_space<semaphore_mem>>) {add = true}
      %add3A_171 = arith.constant 2 : i32
      %add3A_172 = arith.addi %mul3A_155, %add3A_171 : i32
      %dma_start3A_173 = arith.constant 0 : i32
      %dma_start3A_174 = tpu.memref_slice %arg6[%add3A_172, %dma_start3A_173] : memref<200x128xi32, #tpu.memory_space<vmem>> -> memref<1x128xi32, #tpu.memory_space<vmem>>
      %dma_start3A_175 = tpu.memref_squeeze %dma_start3A_174 : memref<1x128xi32, #tpu.memory_space<vmem>> -> memref<128xi32, #tpu.memory_space<vmem>>
      %dma_start3A_176 = arith.constant 0 : i32
      %dma_start3A_177 = arith.constant 0 : i32
      %dma_start3A_178 = tpu.memref_slice %arg4[%dma_start3A_176, %dma_start3A_177] : memref<8193x128xf32, #tpu.memory_space<hbm>> -> memref<8193x128xf32, #tpu.memory_space<hbm>>
      tpu.enqueue_indirect_dma source(%dma_start3A_178 : memref<8193x128xf32, #tpu.memory_space<hbm>>) target(%arg7 : memref<128x128xf32, #tpu.memory_space<vmem>>) offsets(%dma_start3A_175 : memref<128xi32, #tpu.memory_space<vmem>>) semaphore(%arg9 : memref<!tpu.dma_semaphore, #tpu.memory_space<semaphore_mem>>) {add = true}
      %add3A_179 = arith.constant 3 : i32
      %add3A_180 = arith.addi %mul3A_155, %add3A_179 : i32
      %dma_start3A_181 = arith.constant 0 : i32
      %dma_start3A_182 = tpu.memref_slice %arg6[%add3A_180, %dma_start3A_181] : memref<200x128xi32, #tpu.memory_space<vmem>> -> memref<1x128xi32, #tpu.memory_space<vmem>>
      %dma_start3A_183 = tpu.memref_squeeze %dma_start3A_182 : memref<1x128xi32, #tpu.memory_space<vmem>> -> memref<128xi32, #tpu.memory_space<vmem>>
      %dma_start3A_184 = arith.constant 0 : i32
      %dma_start3A_185 = arith.constant 0 : i32
      %dma_start3A_186 = tpu.memref_slice %arg4[%dma_start3A_184, %dma_start3A_185] : memref<8193x128xf32, #tpu.memory_space<hbm>> -> memref<8193x128xf32, #tpu.memory_space<hbm>>
      tpu.enqueue_indirect_dma source(%dma_start3A_186 : memref<8193x128xf32, #tpu.memory_space<hbm>>) target(%arg7 : memref<128x128xf32, #tpu.memory_space<vmem>>) offsets(%dma_start3A_183 : memref<128xi32, #tpu.memory_space<vmem>>) semaphore(%arg9 : memref<!tpu.dma_semaphore, #tpu.memory_space<semaphore_mem>>) {add = true}
      %add3A_187 = arith.constant 4 : i32
      %add3A_188 = arith.addi %mul3A_155, %add3A_187 : i32
      %dma_start3A_189 = arith.constant 0 : i32
      %dma_start3A_190 = tpu.memref_slice %arg6[%add3A_188, %dma_start3A_189] : memref<200x128xi32, #tpu.memory_space<vmem>> -> memref<1x128xi32, #tpu.memory_space<vmem>>
      %dma_start3A_191 = tpu.memref_squeeze %dma_start3A_190 : memref<1x128xi32, #tpu.memory_space<vmem>> -> memref<128xi32, #tpu.memory_space<vmem>>
      %dma_start3A_192 = arith.constant 0 : i32
      %dma_start3A_193 = arith.constant 0 : i32
      %dma_start3A_194 = tpu.memref_slice %arg4[%dma_start3A_192, %dma_start3A_193] : memref<8193x128xf32, #tpu.memory_space<hbm>> -> memref<8193x128xf32, #tpu.memory_space<hbm>>
      tpu.enqueue_indirect_dma source(%dma_start3A_194 : memref<8193x128xf32, #tpu.memory_space<hbm>>) target(%arg7 : memref<128x128xf32, #tpu.memory_space<vmem>>) offsets(%dma_start3A_191 : memref<128xi32, #tpu.memory_space<vmem>>) semaphore(%arg9 : memref<!tpu.dma_semaphore, #tpu.memory_space<semaphore_mem>>) {add = true}
      %add3A_195 = arith.constant 5 : i32
      %add3A_196 = arith.addi %mul3A_155, %add3A_195 : i32
      %dma_start3A_197 = arith.constant 0 : i32
      %dma_start3A_198 = tpu.memref_slice %arg6[%add3A_196, %dma_start3A_197] : memref<200x128xi32, #tpu.memory_space<vmem>> -> memref<1x128xi32, #tpu.memory_space<vmem>>
      %dma_start3A_199 = tpu.memref_squeeze %dma_start3A_198 : memref<1x128xi32, #tpu.memory_space<vmem>> -> memref<128xi32, #tpu.memory_space<vmem>>
      %dma_start3A_200 = arith.constant 0 : i32
      %dma_start3A_201 = arith.constant 0 : i32
      %dma_start3A_202 = tpu.memref_slice %arg4[%dma_start3A_200, %dma_start3A_201] : memref<8193x128xf32, #tpu.memory_space<hbm>> -> memref<8193x128xf32, #tpu.memory_space<hbm>>
      tpu.enqueue_indirect_dma source(%dma_start3A_202 : memref<8193x128xf32, #tpu.memory_space<hbm>>) target(%arg7 : memref<128x128xf32, #tpu.memory_space<vmem>>) offsets(%dma_start3A_199 : memref<128xi32, #tpu.memory_space<vmem>>) semaphore(%arg9 : memref<!tpu.dma_semaphore, #tpu.memory_space<semaphore_mem>>) {add = true}
      %add3A_203 = arith.constant 6 : i32
      %add3A_204 = arith.addi %mul3A_155, %add3A_203 : i32
      %dma_start3A_205 = arith.constant 0 : i32
      %dma_start3A_206 = tpu.memref_slice %arg6[%add3A_204, %dma_start3A_205] : memref<200x128xi32, #tpu.memory_space<vmem>> -> memref<1x128xi32, #tpu.memory_space<vmem>>
      %dma_start3A_207 = tpu.memref_squeeze %dma_start3A_206 : memref<1x128xi32, #tpu.memory_space<vmem>> -> memref<128xi32, #tpu.memory_space<vmem>>
      %dma_start3A_208 = arith.constant 0 : i32
      %dma_start3A_209 = arith.constant 0 : i32
      %dma_start3A_210 = tpu.memref_slice %arg4[%dma_start3A_208, %dma_start3A_209] : memref<8193x128xf32, #tpu.memory_space<hbm>> -> memref<8193x128xf32, #tpu.memory_space<hbm>>
      tpu.enqueue_indirect_dma source(%dma_start3A_210 : memref<8193x128xf32, #tpu.memory_space<hbm>>) target(%arg7 : memref<128x128xf32, #tpu.memory_space<vmem>>) offsets(%dma_start3A_207 : memref<128xi32, #tpu.memory_space<vmem>>) semaphore(%arg9 : memref<!tpu.dma_semaphore, #tpu.memory_space<semaphore_mem>>) {add = true}
      %add3A_211 = arith.constant 7 : i32
      %add3A_212 = arith.addi %mul3A_155, %add3A_211 : i32
      %dma_start3A_213 = arith.constant 0 : i32
      %dma_start3A_214 = tpu.memref_slice %arg6[%add3A_212, %dma_start3A_213] : memref<200x128xi32, #tpu.memory_space<vmem>> -> memref<1x128xi32, #tpu.memory_space<vmem>>
      %dma_start3A_215 = tpu.memref_squeeze %dma_start3A_214 : memref<1x128xi32, #tpu.memory_space<vmem>> -> memref<128xi32, #tpu.memory_space<vmem>>
      %dma_start3A_216 = arith.constant 0 : i32
      %dma_start3A_217 = arith.constant 0 : i32
      %dma_start3A_218 = tpu.memref_slice %arg4[%dma_start3A_216, %dma_start3A_217] : memref<8193x128xf32, #tpu.memory_space<hbm>> -> memref<8193x128xf32, #tpu.memory_space<hbm>>
      tpu.enqueue_indirect_dma source(%dma_start3A_218 : memref<8193x128xf32, #tpu.memory_space<hbm>>) target(%arg7 : memref<128x128xf32, #tpu.memory_space<vmem>>) offsets(%dma_start3A_215 : memref<128xi32, #tpu.memory_space<vmem>>) semaphore(%arg9 : memref<!tpu.dma_semaphore, #tpu.memory_space<semaphore_mem>>) {add = true}
      %add3A_219 = arith.constant 8 : i32
      %add3A_220 = arith.addi %mul3A_155, %add3A_219 : i32
      %dma_start3A_221 = arith.constant 0 : i32
      %dma_start3A_222 = tpu.memref_slice %arg6[%add3A_220, %dma_start3A_221] : memref<200x128xi32, #tpu.memory_space<vmem>> -> memref<1x128xi32, #tpu.memory_space<vmem>>
      %dma_start3A_223 = tpu.memref_squeeze %dma_start3A_222 : memref<1x128xi32, #tpu.memory_space<vmem>> -> memref<128xi32, #tpu.memory_space<vmem>>
      %dma_start3A_224 = arith.constant 0 : i32
      %dma_start3A_225 = arith.constant 0 : i32
      %dma_start3A_226 = tpu.memref_slice %arg4[%dma_start3A_224, %dma_start3A_225] : memref<8193x128xf32, #tpu.memory_space<hbm>> -> memref<8193x128xf32, #tpu.memory_space<hbm>>
      tpu.enqueue_indirect_dma source(%dma_start3A_226 : memref<8193x128xf32, #tpu.memory_space<hbm>>) target(%arg7 : memref<128x128xf32, #tpu.memory_space<vmem>>) offsets(%dma_start3A_223 : memref<128xi32, #tpu.memory_space<vmem>>) semaphore(%arg9 : memref<!tpu.dma_semaphore, #tpu.memory_space<semaphore_mem>>) {add = true}
      %add3A_227 = arith.constant 9 : i32
      %add3A_228 = arith.addi %mul3A_155, %add3A_227 : i32
      %dma_start3A_229 = arith.constant 0 : i32
      %dma_start3A_230 = tpu.memref_slice %arg6[%add3A_228, %dma_start3A_229] : memref<200x128xi32, #tpu.memory_space<vmem>> -> memref<1x128xi32, #tpu.memory_space<vmem>>
      %dma_start3A_231 = tpu.memref_squeeze %dma_start3A_230 : memref<1x128xi32, #tpu.memory_space<vmem>> -> memref<128xi32, #tpu.memory_space<vmem>>
      %dma_start3A_232 = arith.constant 0 : i32
      %dma_start3A_233 = arith.constant 0 : i32
      %dma_start3A_234 = tpu.memref_slice %arg8[%dma_start3A_232, %dma_start3A_233] : memref<8193x128xf32, #tpu.memory_space<vmem_shared>> -> memref<8193x128xf32, #tpu.memory_space<vmem_shared>>
      tpu.enqueue_indirect_dma source(%dma_start3A_234 : memref<8193x128xf32, #tpu.memory_space<vmem_shared>>) target(%arg7 : memref<128x128xf32, #tpu.memory_space<vmem>>) offsets(%dma_start3A_231 : memref<128xi32, #tpu.memory_space<vmem>>) semaphore(%arg10 : memref<!tpu.dma_semaphore, #tpu.memory_space<semaphore_mem>>) {add = true}
      %add3A_235 = arith.constant 10 : i32
      %add3A_236 = arith.addi %mul3A_155, %add3A_235 : i32
      %dma_start3A_237 = arith.constant 0 : i32
      %dma_start3A_238 = tpu.memref_slice %arg6[%add3A_236, %dma_start3A_237] : memref<200x128xi32, #tpu.memory_space<vmem>> -> memref<1x128xi32, #tpu.memory_space<vmem>>
      %dma_start3A_239 = tpu.memref_squeeze %dma_start3A_238 : memref<1x128xi32, #tpu.memory_space<vmem>> -> memref<128xi32, #tpu.memory_space<vmem>>
      %dma_start3A_240 = arith.constant 0 : i32
      %dma_start3A_241 = arith.constant 0 : i32
      %dma_start3A_242 = tpu.memref_slice %arg8[%dma_start3A_240, %dma_start3A_241] : memref<8193x128xf32, #tpu.memory_space<vmem_shared>> -> memref<8193x128xf32, #tpu.memory_space<vmem_shared>>
      tpu.enqueue_indirect_dma source(%dma_start3A_242 : memref<8193x128xf32, #tpu.memory_space<vmem_shared>>) target(%arg7 : memref<128x128xf32, #tpu.memory_space<vmem>>) offsets(%dma_start3A_239 : memref<128xi32, #tpu.memory_space<vmem>>) semaphore(%arg10 : memref<!tpu.dma_semaphore, #tpu.memory_space<semaphore_mem>>) {add = true}
      %add3A_243 = arith.constant 11 : i32
      %add3A_244 = arith.addi %mul3A_155, %add3A_243 : i32
      %dma_start3A_245 = arith.constant 0 : i32
      %dma_start3A_246 = tpu.memref_slice %arg6[%add3A_244, %dma_start3A_245] : memref<200x128xi32, #tpu.memory_space<vmem>> -> memref<1x128xi32, #tpu.memory_space<vmem>>
      %dma_start3A_247 = tpu.memref_squeeze %dma_start3A_246 : memref<1x128xi32, #tpu.memory_space<vmem>> -> memref<128xi32, #tpu.memory_space<vmem>>
      %dma_start3A_248 = arith.constant 0 : i32
      %dma_start3A_249 = arith.constant 0 : i32
      %dma_start3A_250 = tpu.memref_slice %arg8[%dma_start3A_248, %dma_start3A_249] : memref<8193x128xf32, #tpu.memory_space<vmem_shared>> -> memref<8193x128xf32, #tpu.memory_space<vmem_shared>>
      tpu.enqueue_indirect_dma source(%dma_start3A_250 : memref<8193x128xf32, #tpu.memory_space<vmem_shared>>) target(%arg7 : memref<128x128xf32, #tpu.memory_space<vmem>>) offsets(%dma_start3A_247 : memref<128xi32, #tpu.memory_space<vmem>>) semaphore(%arg10 : memref<!tpu.dma_semaphore, #tpu.memory_space<semaphore_mem>>) {add = true}
      %add3A_251 = arith.constant 12 : i32
      %add3A_252 = arith.addi %mul3A_155, %add3A_251 : i32
      %dma_start3A_253 = arith.constant 0 : i32
      %dma_start3A_254 = tpu.memref_slice %arg6[%add3A_252, %dma_start3A_253] : memref<200x128xi32, #tpu.memory_space<vmem>> -> memref<1x128xi32, #tpu.memory_space<vmem>>
      %dma_start3A_255 = tpu.memref_squeeze %dma_start3A_254 : memref<1x128xi32, #tpu.memory_space<vmem>> -> memref<128xi32, #tpu.memory_space<vmem>>
      %dma_start3A_256 = arith.constant 0 : i32
      %dma_start3A_257 = arith.constant 0 : i32
      %dma_start3A_258 = tpu.memref_slice %arg8[%dma_start3A_256, %dma_start3A_257] : memref<8193x128xf32, #tpu.memory_space<vmem_shared>> -> memref<8193x128xf32, #tpu.memory_space<vmem_shared>>
      tpu.enqueue_indirect_dma source(%dma_start3A_258 : memref<8193x128xf32, #tpu.memory_space<vmem_shared>>) target(%arg7 : memref<128x128xf32, #tpu.memory_space<vmem>>) offsets(%dma_start3A_255 : memref<128xi32, #tpu.memory_space<vmem>>) semaphore(%arg10 : memref<!tpu.dma_semaphore, #tpu.memory_space<semaphore_mem>>) {add = true}
      %add3A_259 = arith.constant 13 : i32
      %add3A_260 = arith.addi %mul3A_155, %add3A_259 : i32
      %dma_start3A_261 = arith.constant 0 : i32
      %dma_start3A_262 = tpu.memref_slice %arg6[%add3A_260, %dma_start3A_261] : memref<200x128xi32, #tpu.memory_space<vmem>> -> memref<1x128xi32, #tpu.memory_space<vmem>>
      %dma_start3A_263 = tpu.memref_squeeze %dma_start3A_262 : memref<1x128xi32, #tpu.memory_space<vmem>> -> memref<128xi32, #tpu.memory_space<vmem>>
      %dma_start3A_264 = arith.constant 0 : i32
      %dma_start3A_265 = arith.constant 0 : i32
      %dma_start3A_266 = tpu.memref_slice %arg8[%dma_start3A_264, %dma_start3A_265] : memref<8193x128xf32, #tpu.memory_space<vmem_shared>> -> memref<8193x128xf32, #tpu.memory_space<vmem_shared>>
      tpu.enqueue_indirect_dma source(%dma_start3A_266 : memref<8193x128xf32, #tpu.memory_space<vmem_shared>>) target(%arg7 : memref<128x128xf32, #tpu.memory_space<vmem>>) offsets(%dma_start3A_263 : memref<128xi32, #tpu.memory_space<vmem>>) semaphore(%arg10 : memref<!tpu.dma_semaphore, #tpu.memory_space<semaphore_mem>>) {add = true}
      %add3A_267 = arith.constant 14 : i32
      %add3A_268 = arith.addi %mul3A_155, %add3A_267 : i32
      %dma_start3A_269 = arith.constant 0 : i32
      %dma_start3A_270 = tpu.memref_slice %arg6[%add3A_268, %dma_start3A_269] : memref<200x128xi32, #tpu.memory_space<vmem>> -> memref<1x128xi32, #tpu.memory_space<vmem>>
      %dma_start3A_271 = tpu.memref_squeeze %dma_start3A_270 : memref<1x128xi32, #tpu.memory_space<vmem>> -> memref<128xi32, #tpu.memory_space<vmem>>
      %dma_start3A_272 = arith.constant 0 : i32
      %dma_start3A_273 = arith.constant 0 : i32
      %dma_start3A_274 = tpu.memref_slice %arg8[%dma_start3A_272, %dma_start3A_273] : memref<8193x128xf32, #tpu.memory_space<vmem_shared>> -> memref<8193x128xf32, #tpu.memory_space<vmem_shared>>
      tpu.enqueue_indirect_dma source(%dma_start3A_274 : memref<8193x128xf32, #tpu.memory_space<vmem_shared>>) target(%arg7 : memref<128x128xf32, #tpu.memory_space<vmem>>) offsets(%dma_start3A_271 : memref<128xi32, #tpu.memory_space<vmem>>) semaphore(%arg10 : memref<!tpu.dma_semaphore, #tpu.memory_space<semaphore_mem>>) {add = true}
      %add3A_275 = arith.constant 15 : i32
      %add3A_276 = arith.addi %mul3A_155, %add3A_275 : i32
      %dma_start3A_277 = arith.constant 0 : i32
      %dma_start3A_278 = tpu.memref_slice %arg6[%add3A_276, %dma_start3A_277] : memref<200x128xi32, #tpu.memory_space<vmem>> -> memref<1x128xi32, #tpu.memory_space<vmem>>
      %dma_start3A_279 = tpu.memref_squeeze %dma_start3A_278 : memref<1x128xi32, #tpu.memory_space<vmem>> -> memref<128xi32, #tpu.memory_space<vmem>>
      %dma_start3A_280 = arith.constant 0 : i32
      %dma_start3A_281 = arith.constant 0 : i32
      %dma_start3A_282 = tpu.memref_slice %arg8[%dma_start3A_280, %dma_start3A_281] : memref<8193x128xf32, #tpu.memory_space<vmem_shared>> -> memref<8193x128xf32, #tpu.memory_space<vmem_shared>>
      tpu.enqueue_indirect_dma source(%dma_start3A_282 : memref<8193x128xf32, #tpu.memory_space<vmem_shared>>) target(%arg7 : memref<128x128xf32, #tpu.memory_space<vmem>>) offsets(%dma_start3A_279 : memref<128xi32, #tpu.memory_space<vmem>>) semaphore(%arg10 : memref<!tpu.dma_semaphore, #tpu.memory_space<semaphore_mem>>) {add = true}
      %add3A_283 = arith.constant 16 : i32
      %add3A_284 = arith.addi %mul3A_155, %add3A_283 : i32
      %dma_start3A_285 = arith.constant 0 : i32
      %dma_start3A_286 = tpu.memref_slice %arg6[%add3A_284, %dma_start3A_285] : memref<200x128xi32, #tpu.memory_space<vmem>> -> memref<1x128xi32, #tpu.memory_space<vmem>>
      %dma_start3A_287 = tpu.memref_squeeze %dma_start3A_286 : memref<1x128xi32, #tpu.memory_space<vmem>> -> memref<128xi32, #tpu.memory_space<vmem>>
      %dma_start3A_288 = arith.constant 0 : i32
      %dma_start3A_289 = arith.constant 0 : i32
      %dma_start3A_290 = tpu.memref_slice %arg8[%dma_start3A_288, %dma_start3A_289] : memref<8193x128xf32, #tpu.memory_space<vmem_shared>> -> memref<8193x128xf32, #tpu.memory_space<vmem_shared>>
      tpu.enqueue_indirect_dma source(%dma_start3A_290 : memref<8193x128xf32, #tpu.memory_space<vmem_shared>>) target(%arg7 : memref<128x128xf32, #tpu.memory_space<vmem>>) offsets(%dma_start3A_287 : memref<128xi32, #tpu.memory_space<vmem>>) semaphore(%arg10 : memref<!tpu.dma_semaphore, #tpu.memory_space<semaphore_mem>>) {add = true}
      %add3A_291 = arith.constant 17 : i32
      %add3A_292 = arith.addi %mul3A_155, %add3A_291 : i32
      %dma_start3A_293 = arith.constant 0 : i32
      %dma_start3A_294 = tpu.memref_slice %arg6[%add3A_292, %dma_start3A_293] : memref<200x128xi32, #tpu.memory_space<vmem>> -> memref<1x128xi32, #tpu.memory_space<vmem>>
      %dma_start3A_295 = tpu.memref_squeeze %dma_start3A_294 : memref<1x128xi32, #tpu.memory_space<vmem>> -> memref<128xi32, #tpu.memory_space<vmem>>
      %dma_start3A_296 = arith.constant 0 : i32
      %dma_start3A_297 = arith.constant 0 : i32
      %dma_start3A_298 = tpu.memref_slice %arg8[%dma_start3A_296, %dma_start3A_297] : memref<8193x128xf32, #tpu.memory_space<vmem_shared>> -> memref<8193x128xf32, #tpu.memory_space<vmem_shared>>
      tpu.enqueue_indirect_dma source(%dma_start3A_298 : memref<8193x128xf32, #tpu.memory_space<vmem_shared>>) target(%arg7 : memref<128x128xf32, #tpu.memory_space<vmem>>) offsets(%dma_start3A_295 : memref<128xi32, #tpu.memory_space<vmem>>) semaphore(%arg10 : memref<!tpu.dma_semaphore, #tpu.memory_space<semaphore_mem>>) {add = true}
      %add3A_299 = arith.constant 18 : i32
      %add3A_300 = arith.addi %mul3A_155, %add3A_299 : i32
      %dma_start3A_301 = arith.constant 0 : i32
      %dma_start3A_302 = tpu.memref_slice %arg6[%add3A_300, %dma_start3A_301] : memref<200x128xi32, #tpu.memory_space<vmem>> -> memref<1x128xi32, #tpu.memory_space<vmem>>
      %dma_start3A_303 = tpu.memref_squeeze %dma_start3A_302 : memref<1x128xi32, #tpu.memory_space<vmem>> -> memref<128xi32, #tpu.memory_space<vmem>>
      %dma_start3A_304 = arith.constant 0 : i32
      %dma_start3A_305 = arith.constant 0 : i32
      %dma_start3A_306 = tpu.memref_slice %arg8[%dma_start3A_304, %dma_start3A_305] : memref<8193x128xf32, #tpu.memory_space<vmem_shared>> -> memref<8193x128xf32, #tpu.memory_space<vmem_shared>>
      tpu.enqueue_indirect_dma source(%dma_start3A_306 : memref<8193x128xf32, #tpu.memory_space<vmem_shared>>) target(%arg7 : memref<128x128xf32, #tpu.memory_space<vmem>>) offsets(%dma_start3A_303 : memref<128xi32, #tpu.memory_space<vmem>>) semaphore(%arg10 : memref<!tpu.dma_semaphore, #tpu.memory_space<semaphore_mem>>) {add = true}
      %add3A_307 = arith.constant 19 : i32
      %add3A_308 = arith.addi %mul3A_155, %add3A_307 : i32
      %dma_start3A_309 = arith.constant 0 : i32
      %dma_start3A_310 = tpu.memref_slice %arg6[%add3A_308, %dma_start3A_309] : memref<200x128xi32, #tpu.memory_space<vmem>> -> memref<1x128xi32, #tpu.memory_space<vmem>>
      %dma_start3A_311 = tpu.memref_squeeze %dma_start3A_310 : memref<1x128xi32, #tpu.memory_space<vmem>> -> memref<128xi32, #tpu.memory_space<vmem>>
      %dma_start3A_312 = arith.constant 0 : i32
      %dma_start3A_313 = arith.constant 0 : i32
      %dma_start3A_314 = tpu.memref_slice %arg8[%dma_start3A_312, %dma_start3A_313] : memref<8193x128xf32, #tpu.memory_space<vmem_shared>> -> memref<8193x128xf32, #tpu.memory_space<vmem_shared>>
      tpu.enqueue_indirect_dma source(%dma_start3A_314 : memref<8193x128xf32, #tpu.memory_space<vmem_shared>>) target(%arg7 : memref<128x128xf32, #tpu.memory_space<vmem>>) offsets(%dma_start3A_311 : memref<128xi32, #tpu.memory_space<vmem>>) semaphore(%arg10 : memref<!tpu.dma_semaphore, #tpu.memory_space<semaphore_mem>>) {add = true}
      %gt3A = arith.constant 0 : i32
      %gt3A_315 = arith.cmpi sgt, %scan3A_153, %gt3A : i32
      %convert_element_type3A_316 = arith.extui %gt3A_315 : i1 to i32
      %cond3A_317 = arith.constant 0 : i32
      %cond3A_318 = arith.cmpi ne, %convert_element_type3A_316, %cond3A_317 : i32
      scf.if %cond3A_318 {
        %dma_wait3A_319 = arith.constant 0 : i32
        %dma_wait3A_320 = arith.constant 0 : i32
        %dma_wait3A_321 = tpu.memref_slice %arg6[%dma_wait3A_319, %dma_wait3A_320] : memref<200x128xi32, #tpu.memory_space<vmem>> -> memref<1x128xi32, #tpu.memory_space<vmem>>
        %dma_wait3A_322 = tpu.memref_squeeze %dma_wait3A_321 : memref<1x128xi32, #tpu.memory_space<vmem>> -> memref<128xi32, #tpu.memory_space<vmem>>
        %dma_wait3A_323 = arith.constant 0 : i32
        %dma_wait3A_324 = arith.constant 0 : i32
        %dma_wait3A_325 = tpu.memref_slice %arg4[%dma_wait3A_323, %dma_wait3A_324] : memref<8193x128xf32, #tpu.memory_space<hbm>> -> memref<8193x128xf32, #tpu.memory_space<hbm>>
        tpu.wait_indirect_dma semaphore(%arg9 : memref<!tpu.dma_semaphore, #tpu.memory_space<semaphore_mem>>) src(%dma_wait3A_325 : memref<8193x128xf32, #tpu.memory_space<hbm>>) dst(%arg7 : memref<128x128xf32, #tpu.memory_space<vmem>>)
        %dma_wait3A_326 = arith.constant 0 : i32
        %dma_wait3A_327 = arith.constant 0 : i32
        %dma_wait3A_328 = tpu.memref_slice %arg6[%dma_wait3A_326, %dma_wait3A_327] : memref<200x128xi32, #tpu.memory_space<vmem>> -> memref<1x128xi32, #tpu.memory_space<vmem>>
        %dma_wait3A_329 = tpu.memref_squeeze %dma_wait3A_328 : memref<1x128xi32, #tpu.memory_space<vmem>> -> memref<128xi32, #tpu.memory_space<vmem>>
        %dma_wait3A_330 = arith.constant 0 : i32
        %dma_wait3A_331 = arith.constant 0 : i32
        %dma_wait3A_332 = tpu.memref_slice %arg4[%dma_wait3A_330, %dma_wait3A_331] : memref<8193x128xf32, #tpu.memory_space<hbm>> -> memref<8193x128xf32, #tpu.memory_space<hbm>>
        tpu.wait_indirect_dma semaphore(%arg9 : memref<!tpu.dma_semaphore, #tpu.memory_space<semaphore_mem>>) src(%dma_wait3A_332 : memref<8193x128xf32, #tpu.memory_space<hbm>>) dst(%arg7 : memref<128x128xf32, #tpu.memory_space<vmem>>)
        %dma_wait3A_333 = arith.constant 0 : i32
        %dma_wait3A_334 = arith.constant 0 : i32
        %dma_wait3A_335 = tpu.memref_slice %arg6[%dma_wait3A_333, %dma_wait3A_334] : memref<200x128xi32, #tpu.memory_space<vmem>> -> memref<1x128xi32, #tpu.memory_space<vmem>>
        %dma_wait3A_336 = tpu.memref_squeeze %dma_wait3A_335 : memref<1x128xi32, #tpu.memory_space<vmem>> -> memref<128xi32, #tpu.memory_space<vmem>>
        %dma_wait3A_337 = arith.constant 0 : i32
        %dma_wait3A_338 = arith.constant 0 : i32
        %dma_wait3A_339 = tpu.memref_slice %arg4[%dma_wait3A_337, %dma_wait3A_338] : memref<8193x128xf32, #tpu.memory_space<hbm>> -> memref<8193x128xf32, #tpu.memory_space<hbm>>
        tpu.wait_indirect_dma semaphore(%arg9 : memref<!tpu.dma_semaphore, #tpu.memory_space<semaphore_mem>>) src(%dma_wait3A_339 : memref<8193x128xf32, #tpu.memory_space<hbm>>) dst(%arg7 : memref<128x128xf32, #tpu.memory_space<vmem>>)
        %dma_wait3A_340 = arith.constant 0 : i32
        %dma_wait3A_341 = arith.constant 0 : i32
        %dma_wait3A_342 = tpu.memref_slice %arg6[%dma_wait3A_340, %dma_wait3A_341] : memref<200x128xi32, #tpu.memory_space<vmem>> -> memref<1x128xi32, #tpu.memory_space<vmem>>
        %dma_wait3A_343 = tpu.memref_squeeze %dma_wait3A_342 : memref<1x128xi32, #tpu.memory_space<vmem>> -> memref<128xi32, #tpu.memory_space<vmem>>
        %dma_wait3A_344 = arith.constant 0 : i32
        %dma_wait3A_345 = arith.constant 0 : i32
        %dma_wait3A_346 = tpu.memref_slice %arg4[%dma_wait3A_344, %dma_wait3A_345] : memref<8193x128xf32, #tpu.memory_space<hbm>> -> memref<8193x128xf32, #tpu.memory_space<hbm>>
        tpu.wait_indirect_dma semaphore(%arg9 : memref<!tpu.dma_semaphore, #tpu.memory_space<semaphore_mem>>) src(%dma_wait3A_346 : memref<8193x128xf32, #tpu.memory_space<hbm>>) dst(%arg7 : memref<128x128xf32, #tpu.memory_space<vmem>>)
        %dma_wait3A_347 = arith.constant 0 : i32
        %dma_wait3A_348 = arith.constant 0 : i32
        %dma_wait3A_349 = tpu.memref_slice %arg6[%dma_wait3A_347, %dma_wait3A_348] : memref<200x128xi32, #tpu.memory_space<vmem>> -> memref<1x128xi32, #tpu.memory_space<vmem>>
        %dma_wait3A_350 = tpu.memref_squeeze %dma_wait3A_349 : memref<1x128xi32, #tpu.memory_space<vmem>> -> memref<128xi32, #tpu.memory_space<vmem>>
        %dma_wait3A_351 = arith.constant 0 : i32
        %dma_wait3A_352 = arith.constant 0 : i32
        %dma_wait3A_353 = tpu.memref_slice %arg4[%dma_wait3A_351, %dma_wait3A_352] : memref<8193x128xf32, #tpu.memory_space<hbm>> -> memref<8193x128xf32, #tpu.memory_space<hbm>>
        tpu.wait_indirect_dma semaphore(%arg9 : memref<!tpu.dma_semaphore, #tpu.memory_space<semaphore_mem>>) src(%dma_wait3A_353 : memref<8193x128xf32, #tpu.memory_space<hbm>>) dst(%arg7 : memref<128x128xf32, #tpu.memory_space<vmem>>)
        %dma_wait3A_354 = arith.constant 0 : i32
        %dma_wait3A_355 = arith.constant 0 : i32
        %dma_wait3A_356 = tpu.memref_slice %arg6[%dma_wait3A_354, %dma_wait3A_355] : memref<200x128xi32, #tpu.memory_space<vmem>> -> memref<1x128xi32, #tpu.memory_space<vmem>>
        %dma_wait3A_357 = tpu.memref_squeeze %dma_wait3A_356 : memref<1x128xi32, #tpu.memory_space<vmem>> -> memref<128xi32, #tpu.memory_space<vmem>>
        %dma_wait3A_358 = arith.constant 0 : i32
        %dma_wait3A_359 = arith.constant 0 : i32
        %dma_wait3A_360 = tpu.memref_slice %arg4[%dma_wait3A_358, %dma_wait3A_359] : memref<8193x128xf32, #tpu.memory_space<hbm>> -> memref<8193x128xf32, #tpu.memory_space<hbm>>
        tpu.wait_indirect_dma semaphore(%arg9 : memref<!tpu.dma_semaphore, #tpu.memory_space<semaphore_mem>>) src(%dma_wait3A_360 : memref<8193x128xf32, #tpu.memory_space<hbm>>) dst(%arg7 : memref<128x128xf32, #tpu.memory_space<vmem>>)
        %dma_wait3A_361 = arith.constant 0 : i32
        %dma_wait3A_362 = arith.constant 0 : i32
        %dma_wait3A_363 = tpu.memref_slice %arg6[%dma_wait3A_361, %dma_wait3A_362] : memref<200x128xi32, #tpu.memory_space<vmem>> -> memref<1x128xi32, #tpu.memory_space<vmem>>
        %dma_wait3A_364 = tpu.memref_squeeze %dma_wait3A_363 : memref<1x128xi32, #tpu.memory_space<vmem>> -> memref<128xi32, #tpu.memory_space<vmem>>
        %dma_wait3A_365 = arith.constant 0 : i32
        %dma_wait3A_366 = arith.constant 0 : i32
        %dma_wait3A_367 = tpu.memref_slice %arg4[%dma_wait3A_365, %dma_wait3A_366] : memref<8193x128xf32, #tpu.memory_space<hbm>> -> memref<8193x128xf32, #tpu.memory_space<hbm>>
        tpu.wait_indirect_dma semaphore(%arg9 : memref<!tpu.dma_semaphore, #tpu.memory_space<semaphore_mem>>) src(%dma_wait3A_367 : memref<8193x128xf32, #tpu.memory_space<hbm>>) dst(%arg7 : memref<128x128xf32, #tpu.memory_space<vmem>>)
        %dma_wait3A_368 = arith.constant 0 : i32
        %dma_wait3A_369 = arith.constant 0 : i32
        %dma_wait3A_370 = tpu.memref_slice %arg6[%dma_wait3A_368, %dma_wait3A_369] : memref<200x128xi32, #tpu.memory_space<vmem>> -> memref<1x128xi32, #tpu.memory_space<vmem>>
        %dma_wait3A_371 = tpu.memref_squeeze %dma_wait3A_370 : memref<1x128xi32, #tpu.memory_space<vmem>> -> memref<128xi32, #tpu.memory_space<vmem>>
        %dma_wait3A_372 = arith.constant 0 : i32
        %dma_wait3A_373 = arith.constant 0 : i32
        %dma_wait3A_374 = tpu.memref_slice %arg4[%dma_wait3A_372, %dma_wait3A_373] : memref<8193x128xf32, #tpu.memory_space<hbm>> -> memref<8193x128xf32, #tpu.memory_space<hbm>>
        tpu.wait_indirect_dma semaphore(%arg9 : memref<!tpu.dma_semaphore, #tpu.memory_space<semaphore_mem>>) src(%dma_wait3A_374 : memref<8193x128xf32, #tpu.memory_space<hbm>>) dst(%arg7 : memref<128x128xf32, #tpu.memory_space<vmem>>)
        %dma_wait3A_375 = arith.constant 0 : i32
        %dma_wait3A_376 = arith.constant 0 : i32
        %dma_wait3A_377 = tpu.memref_slice %arg6[%dma_wait3A_375, %dma_wait3A_376] : memref<200x128xi32, #tpu.memory_space<vmem>> -> memref<1x128xi32, #tpu.memory_space<vmem>>
        %dma_wait3A_378 = tpu.memref_squeeze %dma_wait3A_377 : memref<1x128xi32, #tpu.memory_space<vmem>> -> memref<128xi32, #tpu.memory_space<vmem>>
        %dma_wait3A_379 = arith.constant 0 : i32
        %dma_wait3A_380 = arith.constant 0 : i32
        %dma_wait3A_381 = tpu.memref_slice %arg4[%dma_wait3A_379, %dma_wait3A_380] : memref<8193x128xf32, #tpu.memory_space<hbm>> -> memref<8193x128xf32, #tpu.memory_space<hbm>>
        tpu.wait_indirect_dma semaphore(%arg9 : memref<!tpu.dma_semaphore, #tpu.memory_space<semaphore_mem>>) src(%dma_wait3A_381 : memref<8193x128xf32, #tpu.memory_space<hbm>>) dst(%arg7 : memref<128x128xf32, #tpu.memory_space<vmem>>)
        %dma_wait3A_382 = arith.constant 0 : i32
        %dma_wait3A_383 = arith.constant 0 : i32
        %dma_wait3A_384 = tpu.memref_slice %arg6[%dma_wait3A_382, %dma_wait3A_383] : memref<200x128xi32, #tpu.memory_space<vmem>> -> memref<1x128xi32, #tpu.memory_space<vmem>>
        %dma_wait3A_385 = tpu.memref_squeeze %dma_wait3A_384 : memref<1x128xi32, #tpu.memory_space<vmem>> -> memref<128xi32, #tpu.memory_space<vmem>>
        %dma_wait3A_386 = arith.constant 0 : i32
        %dma_wait3A_387 = arith.constant 0 : i32
        %dma_wait3A_388 = tpu.memref_slice %arg8[%dma_wait3A_386, %dma_wait3A_387] : memref<8193x128xf32, #tpu.memory_space<vmem_shared>> -> memref<8193x128xf32, #tpu.memory_space<vmem_shared>>
        tpu.wait_indirect_dma semaphore(%arg10 : memref<!tpu.dma_semaphore, #tpu.memory_space<semaphore_mem>>) src(%dma_wait3A_388 : memref<8193x128xf32, #tpu.memory_space<vmem_shared>>) dst(%arg7 : memref<128x128xf32, #tpu.memory_space<vmem>>)
        %dma_wait3A_389 = arith.constant 0 : i32
        %dma_wait3A_390 = arith.constant 0 : i32
        %dma_wait3A_391 = tpu.memref_slice %arg6[%dma_wait3A_389, %dma_wait3A_390] : memref<200x128xi32, #tpu.memory_space<vmem>> -> memref<1x128xi32, #tpu.memory_space<vmem>>
        %dma_wait3A_392 = tpu.memref_squeeze %dma_wait3A_391 : memref<1x128xi32, #tpu.memory_space<vmem>> -> memref<128xi32, #tpu.memory_space<vmem>>
        %dma_wait3A_393 = arith.constant 0 : i32
        %dma_wait3A_394 = arith.constant 0 : i32
        %dma_wait3A_395 = tpu.memref_slice %arg8[%dma_wait3A_393, %dma_wait3A_394] : memref<8193x128xf32, #tpu.memory_space<vmem_shared>> -> memref<8193x128xf32, #tpu.memory_space<vmem_shared>>
        tpu.wait_indirect_dma semaphore(%arg10 : memref<!tpu.dma_semaphore, #tpu.memory_space<semaphore_mem>>) src(%dma_wait3A_395 : memref<8193x128xf32, #tpu.memory_space<vmem_shared>>) dst(%arg7 : memref<128x128xf32, #tpu.memory_space<vmem>>)
        %dma_wait3A_396 = arith.constant 0 : i32
        %dma_wait3A_397 = arith.constant 0 : i32
        %dma_wait3A_398 = tpu.memref_slice %arg6[%dma_wait3A_396, %dma_wait3A_397] : memref<200x128xi32, #tpu.memory_space<vmem>> -> memref<1x128xi32, #tpu.memory_space<vmem>>
        %dma_wait3A_399 = tpu.memref_squeeze %dma_wait3A_398 : memref<1x128xi32, #tpu.memory_space<vmem>> -> memref<128xi32, #tpu.memory_space<vmem>>
        %dma_wait3A_400 = arith.constant 0 : i32
        %dma_wait3A_401 = arith.constant 0 : i32
        %dma_wait3A_402 = tpu.memref_slice %arg8[%dma_wait3A_400, %dma_wait3A_401] : memref<8193x128xf32, #tpu.memory_space<vmem_shared>> -> memref<8193x128xf32, #tpu.memory_space<vmem_shared>>
        tpu.wait_indirect_dma semaphore(%arg10 : memref<!tpu.dma_semaphore, #tpu.memory_space<semaphore_mem>>) src(%dma_wait3A_402 : memref<8193x128xf32, #tpu.memory_space<vmem_shared>>) dst(%arg7 : memref<128x128xf32, #tpu.memory_space<vmem>>)
        %dma_wait3A_403 = arith.constant 0 : i32
        %dma_wait3A_404 = arith.constant 0 : i32
        %dma_wait3A_405 = tpu.memref_slice %arg6[%dma_wait3A_403, %dma_wait3A_404] : memref<200x128xi32, #tpu.memory_space<vmem>> -> memref<1x128xi32, #tpu.memory_space<vmem>>
        %dma_wait3A_406 = tpu.memref_squeeze %dma_wait3A_405 : memref<1x128xi32, #tpu.memory_space<vmem>> -> memref<128xi32, #tpu.memory_space<vmem>>
        %dma_wait3A_407 = arith.constant 0 : i32
        %dma_wait3A_408 = arith.constant 0 : i32
        %dma_wait3A_409 = tpu.memref_slice %arg8[%dma_wait3A_407, %dma_wait3A_408] : memref<8193x128xf32, #tpu.memory_space<vmem_shared>> -> memref<8193x128xf32, #tpu.memory_space<vmem_shared>>
        tpu.wait_indirect_dma semaphore(%arg10 : memref<!tpu.dma_semaphore, #tpu.memory_space<semaphore_mem>>) src(%dma_wait3A_409 : memref<8193x128xf32, #tpu.memory_space<vmem_shared>>) dst(%arg7 : memref<128x128xf32, #tpu.memory_space<vmem>>)
        %dma_wait3A_410 = arith.constant 0 : i32
        %dma_wait3A_411 = arith.constant 0 : i32
        %dma_wait3A_412 = tpu.memref_slice %arg6[%dma_wait3A_410, %dma_wait3A_411] : memref<200x128xi32, #tpu.memory_space<vmem>> -> memref<1x128xi32, #tpu.memory_space<vmem>>
        %dma_wait3A_413 = tpu.memref_squeeze %dma_wait3A_412 : memref<1x128xi32, #tpu.memory_space<vmem>> -> memref<128xi32, #tpu.memory_space<vmem>>
        %dma_wait3A_414 = arith.constant 0 : i32
        %dma_wait3A_415 = arith.constant 0 : i32
        %dma_wait3A_416 = tpu.memref_slice %arg8[%dma_wait3A_414, %dma_wait3A_415] : memref<8193x128xf32, #tpu.memory_space<vmem_shared>> -> memref<8193x128xf32, #tpu.memory_space<vmem_shared>>
        tpu.wait_indirect_dma semaphore(%arg10 : memref<!tpu.dma_semaphore, #tpu.memory_space<semaphore_mem>>) src(%dma_wait3A_416 : memref<8193x128xf32, #tpu.memory_space<vmem_shared>>) dst(%arg7 : memref<128x128xf32, #tpu.memory_space<vmem>>)
        %dma_wait3A_417 = arith.constant 0 : i32
        %dma_wait3A_418 = arith.constant 0 : i32
        %dma_wait3A_419 = tpu.memref_slice %arg6[%dma_wait3A_417, %dma_wait3A_418] : memref<200x128xi32, #tpu.memory_space<vmem>> -> memref<1x128xi32, #tpu.memory_space<vmem>>
        %dma_wait3A_420 = tpu.memref_squeeze %dma_wait3A_419 : memref<1x128xi32, #tpu.memory_space<vmem>> -> memref<128xi32, #tpu.memory_space<vmem>>
        %dma_wait3A_421 = arith.constant 0 : i32
        %dma_wait3A_422 = arith.constant 0 : i32
        %dma_wait3A_423 = tpu.memref_slice %arg8[%dma_wait3A_421, %dma_wait3A_422] : memref<8193x128xf32, #tpu.memory_space<vmem_shared>> -> memref<8193x128xf32, #tpu.memory_space<vmem_shared>>
        tpu.wait_indirect_dma semaphore(%arg10 : memref<!tpu.dma_semaphore, #tpu.memory_space<semaphore_mem>>) src(%dma_wait3A_423 : memref<8193x128xf32, #tpu.memory_space<vmem_shared>>) dst(%arg7 : memref<128x128xf32, #tpu.memory_space<vmem>>)
        %dma_wait3A_424 = arith.constant 0 : i32
        %dma_wait3A_425 = arith.constant 0 : i32
        %dma_wait3A_426 = tpu.memref_slice %arg6[%dma_wait3A_424, %dma_wait3A_425] : memref<200x128xi32, #tpu.memory_space<vmem>> -> memref<1x128xi32, #tpu.memory_space<vmem>>
        %dma_wait3A_427 = tpu.memref_squeeze %dma_wait3A_426 : memref<1x128xi32, #tpu.memory_space<vmem>> -> memref<128xi32, #tpu.memory_space<vmem>>
        %dma_wait3A_428 = arith.constant 0 : i32
        %dma_wait3A_429 = arith.constant 0 : i32
        %dma_wait3A_430 = tpu.memref_slice %arg8[%dma_wait3A_428, %dma_wait3A_429] : memref<8193x128xf32, #tpu.memory_space<vmem_shared>> -> memref<8193x128xf32, #tpu.memory_space<vmem_shared>>
        tpu.wait_indirect_dma semaphore(%arg10 : memref<!tpu.dma_semaphore, #tpu.memory_space<semaphore_mem>>) src(%dma_wait3A_430 : memref<8193x128xf32, #tpu.memory_space<vmem_shared>>) dst(%arg7 : memref<128x128xf32, #tpu.memory_space<vmem>>)
        %dma_wait3A_431 = arith.constant 0 : i32
        %dma_wait3A_432 = arith.constant 0 : i32
        %dma_wait3A_433 = tpu.memref_slice %arg6[%dma_wait3A_431, %dma_wait3A_432] : memref<200x128xi32, #tpu.memory_space<vmem>> -> memref<1x128xi32, #tpu.memory_space<vmem>>
        %dma_wait3A_434 = tpu.memref_squeeze %dma_wait3A_433 : memref<1x128xi32, #tpu.memory_space<vmem>> -> memref<128xi32, #tpu.memory_space<vmem>>
        %dma_wait3A_435 = arith.constant 0 : i32
        %dma_wait3A_436 = arith.constant 0 : i32
        %dma_wait3A_437 = tpu.memref_slice %arg8[%dma_wait3A_435, %dma_wait3A_436] : memref<8193x128xf32, #tpu.memory_space<vmem_shared>> -> memref<8193x128xf32, #tpu.memory_space<vmem_shared>>
        tpu.wait_indirect_dma semaphore(%arg10 : memref<!tpu.dma_semaphore, #tpu.memory_space<semaphore_mem>>) src(%dma_wait3A_437 : memref<8193x128xf32, #tpu.memory_space<vmem_shared>>) dst(%arg7 : memref<128x128xf32, #tpu.memory_space<vmem>>)
        %dma_wait3A_438 = arith.constant 0 : i32
        %dma_wait3A_439 = arith.constant 0 : i32
        %dma_wait3A_440 = tpu.memref_slice %arg6[%dma_wait3A_438, %dma_wait3A_439] : memref<200x128xi32, #tpu.memory_space<vmem>> -> memref<1x128xi32, #tpu.memory_space<vmem>>
        %dma_wait3A_441 = tpu.memref_squeeze %dma_wait3A_440 : memref<1x128xi32, #tpu.memory_space<vmem>> -> memref<128xi32, #tpu.memory_space<vmem>>
        %dma_wait3A_442 = arith.constant 0 : i32
        %dma_wait3A_443 = arith.constant 0 : i32
        %dma_wait3A_444 = tpu.memref_slice %arg8[%dma_wait3A_442, %dma_wait3A_443] : memref<8193x128xf32, #tpu.memory_space<vmem_shared>> -> memref<8193x128xf32, #tpu.memory_space<vmem_shared>>
        tpu.wait_indirect_dma semaphore(%arg10 : memref<!tpu.dma_semaphore, #tpu.memory_space<semaphore_mem>>) src(%dma_wait3A_444 : memref<8193x128xf32, #tpu.memory_space<vmem_shared>>) dst(%arg7 : memref<128x128xf32, #tpu.memory_space<vmem>>)
        %dma_wait3A_445 = arith.constant 0 : i32
        %dma_wait3A_446 = arith.constant 0 : i32
        %dma_wait3A_447 = tpu.memref_slice %arg6[%dma_wait3A_445, %dma_wait3A_446] : memref<200x128xi32, #tpu.memory_space<vmem>> -> memref<1x128xi32, #tpu.memory_space<vmem>>
        %dma_wait3A_448 = tpu.memref_squeeze %dma_wait3A_447 : memref<1x128xi32, #tpu.memory_space<vmem>> -> memref<128xi32, #tpu.memory_space<vmem>>
        %dma_wait3A_449 = arith.constant 0 : i32
        %dma_wait3A_450 = arith.constant 0 : i32
        %dma_wait3A_451 = tpu.memref_slice %arg8[%dma_wait3A_449, %dma_wait3A_450] : memref<8193x128xf32, #tpu.memory_space<vmem_shared>> -> memref<8193x128xf32, #tpu.memory_space<vmem_shared>>
        tpu.wait_indirect_dma semaphore(%arg10 : memref<!tpu.dma_semaphore, #tpu.memory_space<semaphore_mem>>) src(%dma_wait3A_451 : memref<8193x128xf32, #tpu.memory_space<vmem_shared>>) dst(%arg7 : memref<128x128xf32, #tpu.memory_space<vmem>>)
        %dma_wait3A_452 = arith.constant 0 : i32
        %dma_wait3A_453 = arith.constant 0 : i32
        %dma_wait3A_454 = tpu.memref_slice %arg6[%dma_wait3A_452, %dma_wait3A_453] : memref<200x128xi32, #tpu.memory_space<vmem>> -> memref<1x128xi32, #tpu.memory_space<vmem>>
        %dma_wait3A_455 = tpu.memref_squeeze %dma_wait3A_454 : memref<1x128xi32, #tpu.memory_space<vmem>> -> memref<128xi32, #tpu.memory_space<vmem>>
        %dma_wait3A_456 = arith.constant 0 : i32
        %dma_wait3A_457 = arith.constant 0 : i32
        %dma_wait3A_458 = tpu.memref_slice %arg8[%dma_wait3A_456, %dma_wait3A_457] : memref<8193x128xf32, #tpu.memory_space<vmem_shared>> -> memref<8193x128xf32, #tpu.memory_space<vmem_shared>>
        tpu.wait_indirect_dma semaphore(%arg10 : memref<!tpu.dma_semaphore, #tpu.memory_space<semaphore_mem>>) src(%dma_wait3A_458 : memref<8193x128xf32, #tpu.memory_space<vmem_shared>>) dst(%arg7 : memref<128x128xf32, #tpu.memory_space<vmem>>)
      } else {
      }
    }
    %scan3A_13 = arith.constant 10 : i32
    %dma_wait3A = arith.constant 0 : i32
    %dma_wait3A_14 = arith.constant 0 : i32
    %dma_wait3A_15 = tpu.memref_slice %arg6[%dma_wait3A, %dma_wait3A_14] : memref<200x128xi32, #tpu.memory_space<vmem>> -> memref<1x128xi32, #tpu.memory_space<vmem>>
    %dma_wait3A_16 = tpu.memref_squeeze %dma_wait3A_15 : memref<1x128xi32, #tpu.memory_space<vmem>> -> memref<128xi32, #tpu.memory_space<vmem>>
    %dma_wait3A_17 = arith.constant 0 : i32
    %dma_wait3A_18 = arith.constant 0 : i32
    %dma_wait3A_19 = tpu.memref_slice %arg4[%dma_wait3A_17, %dma_wait3A_18] : memref<8193x128xf32, #tpu.memory_space<hbm>> -> memref<8193x128xf32, #tpu.memory_space<hbm>>
    tpu.wait_indirect_dma semaphore(%arg9 : memref<!tpu.dma_semaphore, #tpu.memory_space<semaphore_mem>>) src(%dma_wait3A_19 : memref<8193x128xf32, #tpu.memory_space<hbm>>) dst(%arg7 : memref<128x128xf32, #tpu.memory_space<vmem>>)
    %dma_wait3A_20 = arith.constant 0 : i32
    %dma_wait3A_21 = arith.constant 0 : i32
    %dma_wait3A_22 = tpu.memref_slice %arg6[%dma_wait3A_20, %dma_wait3A_21] : memref<200x128xi32, #tpu.memory_space<vmem>> -> memref<1x128xi32, #tpu.memory_space<vmem>>
    %dma_wait3A_23 = tpu.memref_squeeze %dma_wait3A_22 : memref<1x128xi32, #tpu.memory_space<vmem>> -> memref<128xi32, #tpu.memory_space<vmem>>
    %dma_wait3A_24 = arith.constant 0 : i32
    %dma_wait3A_25 = arith.constant 0 : i32
    %dma_wait3A_26 = tpu.memref_slice %arg4[%dma_wait3A_24, %dma_wait3A_25] : memref<8193x128xf32, #tpu.memory_space<hbm>> -> memref<8193x128xf32, #tpu.memory_space<hbm>>
    tpu.wait_indirect_dma semaphore(%arg9 : memref<!tpu.dma_semaphore, #tpu.memory_space<semaphore_mem>>) src(%dma_wait3A_26 : memref<8193x128xf32, #tpu.memory_space<hbm>>) dst(%arg7 : memref<128x128xf32, #tpu.memory_space<vmem>>)
    %dma_wait3A_27 = arith.constant 0 : i32
    %dma_wait3A_28 = arith.constant 0 : i32
    %dma_wait3A_29 = tpu.memref_slice %arg6[%dma_wait3A_27, %dma_wait3A_28] : memref<200x128xi32, #tpu.memory_space<vmem>> -> memref<1x128xi32, #tpu.memory_space<vmem>>
    %dma_wait3A_30 = tpu.memref_squeeze %dma_wait3A_29 : memref<1x128xi32, #tpu.memory_space<vmem>> -> memref<128xi32, #tpu.memory_space<vmem>>
    %dma_wait3A_31 = arith.constant 0 : i32
    %dma_wait3A_32 = arith.constant 0 : i32
    %dma_wait3A_33 = tpu.memref_slice %arg4[%dma_wait3A_31, %dma_wait3A_32] : memref<8193x128xf32, #tpu.memory_space<hbm>> -> memref<8193x128xf32, #tpu.memory_space<hbm>>
    tpu.wait_indirect_dma semaphore(%arg9 : memref<!tpu.dma_semaphore, #tpu.memory_space<semaphore_mem>>) src(%dma_wait3A_33 : memref<8193x128xf32, #tpu.memory_space<hbm>>) dst(%arg7 : memref<128x128xf32, #tpu.memory_space<vmem>>)
    %dma_wait3A_34 = arith.constant 0 : i32
    %dma_wait3A_35 = arith.constant 0 : i32
    %dma_wait3A_36 = tpu.memref_slice %arg6[%dma_wait3A_34, %dma_wait3A_35] : memref<200x128xi32, #tpu.memory_space<vmem>> -> memref<1x128xi32, #tpu.memory_space<vmem>>
    %dma_wait3A_37 = tpu.memref_squeeze %dma_wait3A_36 : memref<1x128xi32, #tpu.memory_space<vmem>> -> memref<128xi32, #tpu.memory_space<vmem>>
    %dma_wait3A_38 = arith.constant 0 : i32
    %dma_wait3A_39 = arith.constant 0 : i32
    %dma_wait3A_40 = tpu.memref_slice %arg4[%dma_wait3A_38, %dma_wait3A_39] : memref<8193x128xf32, #tpu.memory_space<hbm>> -> memref<8193x128xf32, #tpu.memory_space<hbm>>
    tpu.wait_indirect_dma semaphore(%arg9 : memref<!tpu.dma_semaphore, #tpu.memory_space<semaphore_mem>>) src(%dma_wait3A_40 : memref<8193x128xf32, #tpu.memory_space<hbm>>) dst(%arg7 : memref<128x128xf32, #tpu.memory_space<vmem>>)
    %dma_wait3A_41 = arith.constant 0 : i32
    %dma_wait3A_42 = arith.constant 0 : i32
    %dma_wait3A_43 = tpu.memref_slice %arg6[%dma_wait3A_41, %dma_wait3A_42] : memref<200x128xi32, #tpu.memory_space<vmem>> -> memref<1x128xi32, #tpu.memory_space<vmem>>
    %dma_wait3A_44 = tpu.memref_squeeze %dma_wait3A_43 : memref<1x128xi32, #tpu.memory_space<vmem>> -> memref<128xi32, #tpu.memory_space<vmem>>
    %dma_wait3A_45 = arith.constant 0 : i32
    %dma_wait3A_46 = arith.constant 0 : i32
    %dma_wait3A_47 = tpu.memref_slice %arg4[%dma_wait3A_45, %dma_wait3A_46] : memref<8193x128xf32, #tpu.memory_space<hbm>> -> memref<8193x128xf32, #tpu.memory_space<hbm>>
    tpu.wait_indirect_dma semaphore(%arg9 : memref<!tpu.dma_semaphore, #tpu.memory_space<semaphore_mem>>) src(%dma_wait3A_47 : memref<8193x128xf32, #tpu.memory_space<hbm>>) dst(%arg7 : memref<128x128xf32, #tpu.memory_space<vmem>>)
    %dma_wait3A_48 = arith.constant 0 : i32
    %dma_wait3A_49 = arith.constant 0 : i32
    %dma_wait3A_50 = tpu.memref_slice %arg6[%dma_wait3A_48, %dma_wait3A_49] : memref<200x128xi32, #tpu.memory_space<vmem>> -> memref<1x128xi32, #tpu.memory_space<vmem>>
    %dma_wait3A_51 = tpu.memref_squeeze %dma_wait3A_50 : memref<1x128xi32, #tpu.memory_space<vmem>> -> memref<128xi32, #tpu.memory_space<vmem>>
    %dma_wait3A_52 = arith.constant 0 : i32
    %dma_wait3A_53 = arith.constant 0 : i32
    %dma_wait3A_54 = tpu.memref_slice %arg4[%dma_wait3A_52, %dma_wait3A_53] : memref<8193x128xf32, #tpu.memory_space<hbm>> -> memref<8193x128xf32, #tpu.memory_space<hbm>>
    tpu.wait_indirect_dma semaphore(%arg9 : memref<!tpu.dma_semaphore, #tpu.memory_space<semaphore_mem>>) src(%dma_wait3A_54 : memref<8193x128xf32, #tpu.memory_space<hbm>>) dst(%arg7 : memref<128x128xf32, #tpu.memory_space<vmem>>)
    %dma_wait3A_55 = arith.constant 0 : i32
    %dma_wait3A_56 = arith.constant 0 : i32
    %dma_wait3A_57 = tpu.memref_slice %arg6[%dma_wait3A_55, %dma_wait3A_56] : memref<200x128xi32, #tpu.memory_space<vmem>> -> memref<1x128xi32, #tpu.memory_space<vmem>>
    %dma_wait3A_58 = tpu.memref_squeeze %dma_wait3A_57 : memref<1x128xi32, #tpu.memory_space<vmem>> -> memref<128xi32, #tpu.memory_space<vmem>>
    %dma_wait3A_59 = arith.constant 0 : i32
    %dma_wait3A_60 = arith.constant 0 : i32
    %dma_wait3A_61 = tpu.memref_slice %arg4[%dma_wait3A_59, %dma_wait3A_60] : memref<8193x128xf32, #tpu.memory_space<hbm>> -> memref<8193x128xf32, #tpu.memory_space<hbm>>
    tpu.wait_indirect_dma semaphore(%arg9 : memref<!tpu.dma_semaphore, #tpu.memory_space<semaphore_mem>>) src(%dma_wait3A_61 : memref<8193x128xf32, #tpu.memory_space<hbm>>) dst(%arg7 : memref<128x128xf32, #tpu.memory_space<vmem>>)
    %dma_wait3A_62 = arith.constant 0 : i32
    %dma_wait3A_63 = arith.constant 0 : i32
    %dma_wait3A_64 = tpu.memref_slice %arg6[%dma_wait3A_62, %dma_wait3A_63] : memref<200x128xi32, #tpu.memory_space<vmem>> -> memref<1x128xi32, #tpu.memory_space<vmem>>
    %dma_wait3A_65 = tpu.memref_squeeze %dma_wait3A_64 : memref<1x128xi32, #tpu.memory_space<vmem>> -> memref<128xi32, #tpu.memory_space<vmem>>
    %dma_wait3A_66 = arith.constant 0 : i32
    %dma_wait3A_67 = arith.constant 0 : i32
    %dma_wait3A_68 = tpu.memref_slice %arg4[%dma_wait3A_66, %dma_wait3A_67] : memref<8193x128xf32, #tpu.memory_space<hbm>> -> memref<8193x128xf32, #tpu.memory_space<hbm>>
    tpu.wait_indirect_dma semaphore(%arg9 : memref<!tpu.dma_semaphore, #tpu.memory_space<semaphore_mem>>) src(%dma_wait3A_68 : memref<8193x128xf32, #tpu.memory_space<hbm>>) dst(%arg7 : memref<128x128xf32, #tpu.memory_space<vmem>>)
    %dma_wait3A_69 = arith.constant 0 : i32
    %dma_wait3A_70 = arith.constant 0 : i32
    %dma_wait3A_71 = tpu.memref_slice %arg6[%dma_wait3A_69, %dma_wait3A_70] : memref<200x128xi32, #tpu.memory_space<vmem>> -> memref<1x128xi32, #tpu.memory_space<vmem>>
    %dma_wait3A_72 = tpu.memref_squeeze %dma_wait3A_71 : memref<1x128xi32, #tpu.memory_space<vmem>> -> memref<128xi32, #tpu.memory_space<vmem>>
    %dma_wait3A_73 = arith.constant 0 : i32
    %dma_wait3A_74 = arith.constant 0 : i32
    %dma_wait3A_75 = tpu.memref_slice %arg4[%dma_wait3A_73, %dma_wait3A_74] : memref<8193x128xf32, #tpu.memory_space<hbm>> -> memref<8193x128xf32, #tpu.memory_space<hbm>>
    tpu.wait_indirect_dma semaphore(%arg9 : memref<!tpu.dma_semaphore, #tpu.memory_space<semaphore_mem>>) src(%dma_wait3A_75 : memref<8193x128xf32, #tpu.memory_space<hbm>>) dst(%arg7 : memref<128x128xf32, #tpu.memory_space<vmem>>)
    %dma_wait3A_76 = arith.constant 0 : i32
    %dma_wait3A_77 = arith.constant 0 : i32
    %dma_wait3A_78 = tpu.memref_slice %arg6[%dma_wait3A_76, %dma_wait3A_77] : memref<200x128xi32, #tpu.memory_space<vmem>> -> memref<1x128xi32, #tpu.memory_space<vmem>>
    %dma_wait3A_79 = tpu.memref_squeeze %dma_wait3A_78 : memref<1x128xi32, #tpu.memory_space<vmem>> -> memref<128xi32, #tpu.memory_space<vmem>>
    %dma_wait3A_80 = arith.constant 0 : i32
    %dma_wait3A_81 = arith.constant 0 : i32
    %dma_wait3A_82 = tpu.memref_slice %arg8[%dma_wait3A_80, %dma_wait3A_81] : memref<8193x128xf32, #tpu.memory_space<vmem_shared>> -> memref<8193x128xf32, #tpu.memory_space<vmem_shared>>
    tpu.wait_indirect_dma semaphore(%arg10 : memref<!tpu.dma_semaphore, #tpu.memory_space<semaphore_mem>>) src(%dma_wait3A_82 : memref<8193x128xf32, #tpu.memory_space<vmem_shared>>) dst(%arg7 : memref<128x128xf32, #tpu.memory_space<vmem>>)
    %dma_wait3A_83 = arith.constant 0 : i32
    %dma_wait3A_84 = arith.constant 0 : i32
    %dma_wait3A_85 = tpu.memref_slice %arg6[%dma_wait3A_83, %dma_wait3A_84] : memref<200x128xi32, #tpu.memory_space<vmem>> -> memref<1x128xi32, #tpu.memory_space<vmem>>
    %dma_wait3A_86 = tpu.memref_squeeze %dma_wait3A_85 : memref<1x128xi32, #tpu.memory_space<vmem>> -> memref<128xi32, #tpu.memory_space<vmem>>
    %dma_wait3A_87 = arith.constant 0 : i32
    %dma_wait3A_88 = arith.constant 0 : i32
    %dma_wait3A_89 = tpu.memref_slice %arg8[%dma_wait3A_87, %dma_wait3A_88] : memref<8193x128xf32, #tpu.memory_space<vmem_shared>> -> memref<8193x128xf32, #tpu.memory_space<vmem_shared>>
    tpu.wait_indirect_dma semaphore(%arg10 : memref<!tpu.dma_semaphore, #tpu.memory_space<semaphore_mem>>) src(%dma_wait3A_89 : memref<8193x128xf32, #tpu.memory_space<vmem_shared>>) dst(%arg7 : memref<128x128xf32, #tpu.memory_space<vmem>>)
    %dma_wait3A_90 = arith.constant 0 : i32
    %dma_wait3A_91 = arith.constant 0 : i32
    %dma_wait3A_92 = tpu.memref_slice %arg6[%dma_wait3A_90, %dma_wait3A_91] : memref<200x128xi32, #tpu.memory_space<vmem>> -> memref<1x128xi32, #tpu.memory_space<vmem>>
    %dma_wait3A_93 = tpu.memref_squeeze %dma_wait3A_92 : memref<1x128xi32, #tpu.memory_space<vmem>> -> memref<128xi32, #tpu.memory_space<vmem>>
    %dma_wait3A_94 = arith.constant 0 : i32
    %dma_wait3A_95 = arith.constant 0 : i32
    %dma_wait3A_96 = tpu.memref_slice %arg8[%dma_wait3A_94, %dma_wait3A_95] : memref<8193x128xf32, #tpu.memory_space<vmem_shared>> -> memref<8193x128xf32, #tpu.memory_space<vmem_shared>>
    tpu.wait_indirect_dma semaphore(%arg10 : memref<!tpu.dma_semaphore, #tpu.memory_space<semaphore_mem>>) src(%dma_wait3A_96 : memref<8193x128xf32, #tpu.memory_space<vmem_shared>>) dst(%arg7 : memref<128x128xf32, #tpu.memory_space<vmem>>)
    %dma_wait3A_97 = arith.constant 0 : i32
    %dma_wait3A_98 = arith.constant 0 : i32
    %dma_wait3A_99 = tpu.memref_slice %arg6[%dma_wait3A_97, %dma_wait3A_98] : memref<200x128xi32, #tpu.memory_space<vmem>> -> memref<1x128xi32, #tpu.memory_space<vmem>>
    %dma_wait3A_100 = tpu.memref_squeeze %dma_wait3A_99 : memref<1x128xi32, #tpu.memory_space<vmem>> -> memref<128xi32, #tpu.memory_space<vmem>>
    %dma_wait3A_101 = arith.constant 0 : i32
    %dma_wait3A_102 = arith.constant 0 : i32
    %dma_wait3A_103 = tpu.memref_slice %arg8[%dma_wait3A_101, %dma_wait3A_102] : memref<8193x128xf32, #tpu.memory_space<vmem_shared>> -> memref<8193x128xf32, #tpu.memory_space<vmem_shared>>
    tpu.wait_indirect_dma semaphore(%arg10 : memref<!tpu.dma_semaphore, #tpu.memory_space<semaphore_mem>>) src(%dma_wait3A_103 : memref<8193x128xf32, #tpu.memory_space<vmem_shared>>) dst(%arg7 : memref<128x128xf32, #tpu.memory_space<vmem>>)
    %dma_wait3A_104 = arith.constant 0 : i32
    %dma_wait3A_105 = arith.constant 0 : i32
    %dma_wait3A_106 = tpu.memref_slice %arg6[%dma_wait3A_104, %dma_wait3A_105] : memref<200x128xi32, #tpu.memory_space<vmem>> -> memref<1x128xi32, #tpu.memory_space<vmem>>
    %dma_wait3A_107 = tpu.memref_squeeze %dma_wait3A_106 : memref<1x128xi32, #tpu.memory_space<vmem>> -> memref<128xi32, #tpu.memory_space<vmem>>
    %dma_wait3A_108 = arith.constant 0 : i32
    %dma_wait3A_109 = arith.constant 0 : i32
    %dma_wait3A_110 = tpu.memref_slice %arg8[%dma_wait3A_108, %dma_wait3A_109] : memref<8193x128xf32, #tpu.memory_space<vmem_shared>> -> memref<8193x128xf32, #tpu.memory_space<vmem_shared>>
    tpu.wait_indirect_dma semaphore(%arg10 : memref<!tpu.dma_semaphore, #tpu.memory_space<semaphore_mem>>) src(%dma_wait3A_110 : memref<8193x128xf32, #tpu.memory_space<vmem_shared>>) dst(%arg7 : memref<128x128xf32, #tpu.memory_space<vmem>>)
    %dma_wait3A_111 = arith.constant 0 : i32
    %dma_wait3A_112 = arith.constant 0 : i32
    %dma_wait3A_113 = tpu.memref_slice %arg6[%dma_wait3A_111, %dma_wait3A_112] : memref<200x128xi32, #tpu.memory_space<vmem>> -> memref<1x128xi32, #tpu.memory_space<vmem>>
    %dma_wait3A_114 = tpu.memref_squeeze %dma_wait3A_113 : memref<1x128xi32, #tpu.memory_space<vmem>> -> memref<128xi32, #tpu.memory_space<vmem>>
    %dma_wait3A_115 = arith.constant 0 : i32
    %dma_wait3A_116 = arith.constant 0 : i32
    %dma_wait3A_117 = tpu.memref_slice %arg8[%dma_wait3A_115, %dma_wait3A_116] : memref<8193x128xf32, #tpu.memory_space<vmem_shared>> -> memref<8193x128xf32, #tpu.memory_space<vmem_shared>>
    tpu.wait_indirect_dma semaphore(%arg10 : memref<!tpu.dma_semaphore, #tpu.memory_space<semaphore_mem>>) src(%dma_wait3A_117 : memref<8193x128xf32, #tpu.memory_space<vmem_shared>>) dst(%arg7 : memref<128x128xf32, #tpu.memory_space<vmem>>)
    %dma_wait3A_118 = arith.constant 0 : i32
    %dma_wait3A_119 = arith.constant 0 : i32
    %dma_wait3A_120 = tpu.memref_slice %arg6[%dma_wait3A_118, %dma_wait3A_119] : memref<200x128xi32, #tpu.memory_space<vmem>> -> memref<1x128xi32, #tpu.memory_space<vmem>>
    %dma_wait3A_121 = tpu.memref_squeeze %dma_wait3A_120 : memref<1x128xi32, #tpu.memory_space<vmem>> -> memref<128xi32, #tpu.memory_space<vmem>>
    %dma_wait3A_122 = arith.constant 0 : i32
    %dma_wait3A_123 = arith.constant 0 : i32
    %dma_wait3A_124 = tpu.memref_slice %arg8[%dma_wait3A_122, %dma_wait3A_123] : memref<8193x128xf32, #tpu.memory_space<vmem_shared>> -> memref<8193x128xf32, #tpu.memory_space<vmem_shared>>
    tpu.wait_indirect_dma semaphore(%arg10 : memref<!tpu.dma_semaphore, #tpu.memory_space<semaphore_mem>>) src(%dma_wait3A_124 : memref<8193x128xf32, #tpu.memory_space<vmem_shared>>) dst(%arg7 : memref<128x128xf32, #tpu.memory_space<vmem>>)
    %dma_wait3A_125 = arith.constant 0 : i32
    %dma_wait3A_126 = arith.constant 0 : i32
    %dma_wait3A_127 = tpu.memref_slice %arg6[%dma_wait3A_125, %dma_wait3A_126] : memref<200x128xi32, #tpu.memory_space<vmem>> -> memref<1x128xi32, #tpu.memory_space<vmem>>
    %dma_wait3A_128 = tpu.memref_squeeze %dma_wait3A_127 : memref<1x128xi32, #tpu.memory_space<vmem>> -> memref<128xi32, #tpu.memory_space<vmem>>
    %dma_wait3A_129 = arith.constant 0 : i32
    %dma_wait3A_130 = arith.constant 0 : i32
    %dma_wait3A_131 = tpu.memref_slice %arg8[%dma_wait3A_129, %dma_wait3A_130] : memref<8193x128xf32, #tpu.memory_space<vmem_shared>> -> memref<8193x128xf32, #tpu.memory_space<vmem_shared>>
    tpu.wait_indirect_dma semaphore(%arg10 : memref<!tpu.dma_semaphore, #tpu.memory_space<semaphore_mem>>) src(%dma_wait3A_131 : memref<8193x128xf32, #tpu.memory_space<vmem_shared>>) dst(%arg7 : memref<128x128xf32, #tpu.memory_space<vmem>>)
    %dma_wait3A_132 = arith.constant 0 : i32
    %dma_wait3A_133 = arith.constant 0 : i32
    %dma_wait3A_134 = tpu.memref_slice %arg6[%dma_wait3A_132, %dma_wait3A_133] : memref<200x128xi32, #tpu.memory_space<vmem>> -> memref<1x128xi32, #tpu.memory_space<vmem>>
    %dma_wait3A_135 = tpu.memref_squeeze %dma_wait3A_134 : memref<1x128xi32, #tpu.memory_space<vmem>> -> memref<128xi32, #tpu.memory_space<vmem>>
    %dma_wait3A_136 = arith.constant 0 : i32
    %dma_wait3A_137 = arith.constant 0 : i32
    %dma_wait3A_138 = tpu.memref_slice %arg8[%dma_wait3A_136, %dma_wait3A_137] : memref<8193x128xf32, #tpu.memory_space<vmem_shared>> -> memref<8193x128xf32, #tpu.memory_space<vmem_shared>>
    tpu.wait_indirect_dma semaphore(%arg10 : memref<!tpu.dma_semaphore, #tpu.memory_space<semaphore_mem>>) src(%dma_wait3A_138 : memref<8193x128xf32, #tpu.memory_space<vmem_shared>>) dst(%arg7 : memref<128x128xf32, #tpu.memory_space<vmem>>)
    %dma_wait3A_139 = arith.constant 0 : i32
    %dma_wait3A_140 = arith.constant 0 : i32
    %dma_wait3A_141 = tpu.memref_slice %arg6[%dma_wait3A_139, %dma_wait3A_140] : memref<200x128xi32, #tpu.memory_space<vmem>> -> memref<1x128xi32, #tpu.memory_space<vmem>>
    %dma_wait3A_142 = tpu.memref_squeeze %dma_wait3A_141 : memref<1x128xi32, #tpu.memory_space<vmem>> -> memref<128xi32, #tpu.memory_space<vmem>>
    %dma_wait3A_143 = arith.constant 0 : i32
    %dma_wait3A_144 = arith.constant 0 : i32
    %dma_wait3A_145 = tpu.memref_slice %arg8[%dma_wait3A_143, %dma_wait3A_144] : memref<8193x128xf32, #tpu.memory_space<vmem_shared>> -> memref<8193x128xf32, #tpu.memory_space<vmem_shared>>
    tpu.wait_indirect_dma semaphore(%arg10 : memref<!tpu.dma_semaphore, #tpu.memory_space<semaphore_mem>>) src(%dma_wait3A_145 : memref<8193x128xf32, #tpu.memory_space<vmem_shared>>) dst(%arg7 : memref<128x128xf32, #tpu.memory_space<vmem>>)
    %dma_wait3A_146 = arith.constant 0 : i32
    %dma_wait3A_147 = arith.constant 0 : i32
    %dma_wait3A_148 = tpu.memref_slice %arg6[%dma_wait3A_146, %dma_wait3A_147] : memref<200x128xi32, #tpu.memory_space<vmem>> -> memref<1x128xi32, #tpu.memory_space<vmem>>
    %dma_wait3A_149 = tpu.memref_squeeze %dma_wait3A_148 : memref<1x128xi32, #tpu.memory_space<vmem>> -> memref<128xi32, #tpu.memory_space<vmem>>
    %dma_wait3A_150 = arith.constant 0 : i32
    %dma_wait3A_151 = arith.constant 0 : i32
    %dma_wait3A_152 = tpu.memref_slice %arg8[%dma_wait3A_150, %dma_wait3A_151] : memref<8193x128xf32, #tpu.memory_space<vmem_shared>> -> memref<8193x128xf32, #tpu.memory_space<vmem_shared>>
    tpu.wait_indirect_dma semaphore(%arg10 : memref<!tpu.dma_semaphore, #tpu.memory_space<semaphore_mem>>) src(%dma_wait3A_152 : memref<8193x128xf32, #tpu.memory_space<vmem_shared>>) dst(%arg7 : memref<128x128xf32, #tpu.memory_space<vmem>>)
    "tpu.region"() ({
      %run_scoped3A = tpu.sem_alloc : memref<!tpu.dma_semaphore, #tpu.memory_space<semaphore_mem>>
      %dma_start3A = arith.constant 0 : i32
      %dma_start3A_153 = tpu.memref_slice %arg5[%mul3A_2, %dma_start3A] : memref<4096x128xf32, #tpu.memory_space<hbm>> -> memref<128x128xf32, #tpu.memory_space<hbm>>
      %dma_start3A_154 = arith.constant 0 : i32
      %dma_start3A_155 = tpu.memref_slice %arg5[%mul3A_2, %dma_start3A_154] : memref<4096x128xf32, #tpu.memory_space<hbm>> -> memref<128x128xf32, #tpu.memory_space<hbm>>
      tpu.enqueue_dma source(%arg7 : memref<128x128xf32, #tpu.memory_space<vmem>>) target(%dma_start3A_155 : memref<128x128xf32, #tpu.memory_space<hbm>>) target_semaphore(%run_scoped3A : memref<!tpu.dma_semaphore, #tpu.memory_space<semaphore_mem>>)
      %dma_wait3A_156 = arith.constant 0 : i32
      %dma_wait3A_157 = tpu.memref_slice %arg5[%mul3A_2, %dma_wait3A_156] : memref<4096x128xf32, #tpu.memory_space<hbm>> -> memref<128x128xf32, #tpu.memory_space<hbm>>
      %dma_wait3A_158 = arith.constant 0 : i32
      %dma_wait3A_159 = tpu.memref_slice %arg5[%mul3A_2, %dma_wait3A_158] : memref<4096x128xf32, #tpu.memory_space<hbm>> -> memref<128x128xf32, #tpu.memory_space<hbm>>
      tpu.wait_dma2 semaphore(%run_scoped3A : memref<!tpu.dma_semaphore, #tpu.memory_space<semaphore_mem>>) src(%arg7 : memref<128x128xf32, #tpu.memory_space<vmem>>) dst(%dma_wait3A_159 : memref<128x128xf32, #tpu.memory_space<hbm>>)
      tpu.yield
    }) : () -> ()
    return
  }
}

</mosaic_0001>

<sc_bundles>
// kernel: kernel.3.cloned.1.call-start
scs
__scs_entry_jumppad:
0x0: {  	(pc) =	sbr.rel $0x88, $3  }
0x1: {  	(tag) =	ssettag $0x0;
	lr =	simm.s32 $0x1  }
0x2: {  	[smem:$0x3F9E] =	sst lr;
	_ =	strace $0xD0000000  }
0x3: {  	_ = 	snop  }
0x4: {  	_ = 	snop  }
0x5: {  	_ = 	snop  }
0x6: {  	_ = 	snop  }
0x7: {  	_ = 	snop  }
__scs_overlays_trampoline_lowered:
0x8: {  	[smem:$0x3FAD] =	sst s0  }
0x9: {  	[smem:$0x3FAE] =	sst s1  }
0xa: {  	[smem:$0x3FAF] =	sst s2  }
0xb: {  	[smem:$0x3FB0] =	sst s3  }
0xc: {  	[smem:$0x3FB1] =	sst s4  }
0xd: {  	[smem:$0x3FB2] =	sst s5  }
0xe: {  	[smem:$0x3FB3] =	sst s6  }
0xf: {  	[smem:$0x3FB4] =	sst s7  }
0x10: {  	[smem:$0x3FB5] =	sst s8  }
0x11: {  	[smem:$0x3FB6] =	sst s9;
	s0 =	simm.s32 @!p0 $0x0  }
0x12: {  	s1 =	sld [smem:$0x3F9C];
	s0 =	simm.s32 @p0 $0x1  }
0x13: {  	[smem:$0x3FB7] =	sst s0;
	s0 =	simm.s32 @!p1 $0x0  }
0x14: {  	s2 =	sld [smem:$0x3F9B];
	s0 =	simm.s32 @p1 $0x1  }
0x15: {  	[smem:$0x3FB8] =	sst s0;
	s0 =	simm.s32 @!p2 $0x0  }
0x16: {  	s3 =	sld [smem:$0x3FDB];
	s0 =	simm.s32 @p2 $0x1  }
0x17: {  	s4 =	simm.s32 $0x1BF5;
	[smem:$0x3FBA] =	sst s0  }
0x18: {  	s0 =	sld [smem:$0x3F9D];
	_ =	swait.ge [sflag:s4], $0x0  }
0x19: {  	s7 =	sld [smem:$0x3F9E]  }
0x1a: {  	s8 =	sadd.s32 $0xFFFFE003, lr  }
0x1b: {  	s9 =	sadd.s32 $0xFFFFFEF7, lr;
	s5 =	simm.s32 $0xFFFFFFFF;
	p2 =	slt.u32 s8, $0xFFFFF086  }
0x1c: {  	p1 =	slt.u32 s9, $0xF7A;
	s5 =	simm.s32 @!p2 $0x0  }
0x1d: {  	s5 =	simm.s32 @p1 $0x1;
	p0 =	seq.s32 s7, s2  }
0x1e: {  	s7 =	smul.u32 @!p0 $0xF7A, s2;
	p2 =	seq.s32 @!p0 s5, $0x0  }
0x1f: {  	s9 =	smul.u32 $0xF7A, s1;
	s8 =	simm.s32 @!p0 $0x1BF5;
	p2 =	por !p2, p0  }
0x20: {  	[sflag:s8] =	ssyncset.s32 @!p0 $0xFFFFF086;
	s6 =	sadd.s32 @!p0 s3, s7;
	s7 =	simm.s32 @!p0 $0x108  }
0x21: {  	s3 =	sadd.s32 s3, s9;
	s6 =	sadd.s32 @!p0 $0x88, s6;
	s7 =	simm.s32 @p2 $0x1082  }
0x22: {  	[simem:s7], [sflag:s8] =	dma.local @!p0 [hbm:s6], $0xF7A  }
0x23: {  	s9 =	sor.u32 $0xD0000000, s2;
	s6 =	simm.s32 $0x108;
	_ =	swait.ge @!p0 [sflag:s8], $0x0  }
0x24: {  	s3 =	sadd.s32 $0x88, s3;
	s6 =	simm.s32 @!p1 $0x1082;
	[sflag:s4] =	ssyncset.s32 $0xFFFFF086  }
0x25: {  	[simem:s6], [sflag:s4] =	dma.local [hbm:s3], $0xF7A  }
0x26: {  	[smem:$0x3F9E] =	sst s1;
	(tag) =	ssettag s2;
	_ =	strace s9  }
0x27: {  	s1 =	sld [smem:$0x3FAE]  }
0x28: {  	s2 =	sld [smem:$0x3FAF]  }
0x29: {  	s4 =	sld [smem:$0x3FB1]  }
0x2a: {  	p0 =	seq.s32 s5, $0x0;
	s5 =	sld [smem:$0x3FB2]  }
0x2b: {  	s6 =	sld [smem:$0x3FB3]  }
0x2c: {  	s7 =	sld [smem:$0x3FB4]  }
0x2d: {  	s3 =	simm.s32 $0x108;
	s8 =	sld [smem:$0x3FB5]  }
0x2e: {  	s3 =	simm.s32 @!p0 $0x1082;
	s9 =	sld [smem:$0x3FB6]  }
0x2f: {  	lr =	sadd.s32 s0, s3;
	s0 =	sld [smem:$0x3FAD]  }
0x30: {  	s3 =	sld [smem:$0x3FB0]  }
0x31: {  	[smem:$0x3FB9] =	sst s10  }
0x32: {  	s10 =	sld [smem:$0x3FB7];
	_ =	sdelay $0x3  }
0x33: {  	p0 =	seq.s32 s10, $0x1;
	s10 =	sld [smem:$0x3FB9];
	_ =	sdelay $0x3  }
0x34: {  	[smem:$0x3FB9] =	sst s10  }
0x35: {  	s10 =	sld [smem:$0x3FB8];
	_ =	sdelay $0x3  }
0x36: {  	p1 =	seq.s32 s10, $0x1;
	s10 =	sld [smem:$0x3FB9];
	_ =	sdelay $0x3  }
0x37: {  	[smem:$0x3FB9] =	sst s10  }
0x38: {  	s10 =	sld [smem:$0x3FBA]  }
0x39: {  	_ = 	snop;
	(pc) =	sbr.ind lr, $3  }
0x3a: {  	_ = 	snop  }
0x3b: {  	_ = 	snop  }
0x3c: {  	p2 =	seq.s32 s10, $0x1;
	s10 =	sld [smem:$0x3FB9]  }
0x3d: {  	_ =	shalt  }
0x3e: {  	_ =	shalt  }
0x3f: {  	_ =	shalt  }
0x40: {  	_ =	shalt  }
0x41: {  	_ =	shalt  }
0x42: {  	_ =	shalt  }
0x43: {  	_ =	shalt  }
0x44: {  	_ =	shalt  }
0x45: {  	_ =	shalt  }
0x46: {  	_ =	shalt  }
0x47: {  	_ =	shalt  }
0x48: {  	_ =	shalt  }
0x49: {  	_ =	shalt  }
0x4a: {  	_ =	shalt  }
0x4b: {  	_ =	shalt  }
0x4c: {  	_ =	shalt  }
0x4d: {  	_ =	shalt  }
0x4e: {  	_ =	shalt  }
0x4f: {  	_ =	shalt  }
0x50: {  	_ =	shalt  }
0x51: {  	_ =	shalt  }
0x52: {  	_ =	shalt  }
0x53: {  	_ =	shalt  }
0x54: {  	_ =	shalt  }
0x55: {  	_ =	shalt  }
0x56: {  	_ =	shalt  }
0x57: {  	_ =	shalt  }
0x58: {  	_ =	shalt  }
0x59: {  	_ =	shalt  }
0x5a: {  	_ =	shalt  }
0x5b: {  	_ =	shalt  }
0x5c: {  	_ =	shalt  }
0x5d: {  	_ =	shalt  }
0x5e: {  	_ =	shalt  }
0x5f: {  	_ =	shalt  }
0x60: {  	_ =	shalt  }
0x61: {  	_ =	shalt  }
0x62: {  	_ =	shalt  }
0x63: {  	_ =	shalt  }
0x64: {  	_ =	shalt  }
0x65: {  	_ =	shalt  }
0x66: {  	_ =	shalt  }
0x67: {  	_ =	shalt  }
0x68: {  	_ =	shalt  }
0x69: {  	_ =	shalt  }
0x6a: {  	_ =	shalt  }
0x6b: {  	_ =	shalt  }
0x6c: {  	_ =	shalt  }
0x6d: {  	_ =	shalt  }
0x6e: {  	_ =	shalt  }
0x6f: {  	_ =	shalt  }
0x70: {  	_ =	shalt  }
0x71: {  	_ =	shalt  }
0x72: {  	_ =	shalt  }
0x73: {  	_ =	shalt  }
0x74: {  	_ =	shalt  }
0x75: {  	_ =	shalt  }
0x76: {  	_ =	shalt  }
0x77: {  	_ =	shalt  }
0x78: {  	_ =	shalt  }
0x79: {  	_ =	shalt  }
0x7a: {  	_ =	shalt  }
0x7b: {  	_ =	shalt  }
0x7c: {  	_ =	shalt  }
0x7d: {  	_ =	shalt  }
0x7e: {  	_ =	shalt  }
0x7f: {  	_ =	shalt  }
0x80: {  	_ =	shalt  }
0x81: {  	_ =	shalt  }
0x82: {  	_ =	shalt  }
0x83: {  	_ =	shalt  }
0x84: {  	_ =	shalt  }
0x85: {  	_ =	shalt  }
0x86: {  	_ =	shalt  }
0x87: {  	_ =	shalt  }
.Lfunc_end0:
.L_simem_size_0:
called_computation_lowered:
.L_overlay_start_0:
0x88: {  	s2 =	sld [smem:$0x3FD9]  }
0x89: {  	s3 =	sld [smem:$0x3FFE];
	_ =	sdelay $0x1  }
0x8a: {  	s1 =	srdreg.scid  }
0x8b: {  	s0 =	sand.u32 $0x1, s1  }
0x8c: {  	s17 =	sshll.u32 s0, $0xA;
	s2 =	sadd.s32 s3, s2  }
0x8d: {  	s2 =	sadd.s32 s2, s17  }
0x8e: {  	[smem:$0x3FC5] =	sst s2  }
0x8f: {  	_ = 	snop  }
0x90: {  	s2 =	sld [smem:$0x3FC9]  }
0x91: {  	s18 =	sld [smem:$0x3FD0];
	(tm) =	ssettm $0x1  }
0x92: {  	s4 =	sld [smem:$0x3FFB];
	_ =	sdelay $0x3  }
0x93: {  	_ =	strace s4  }
0x94: {  	s4 =	sld [smem:$0x3FFC];
	_ =	sdelay $0x3  }
0x95: {  	_ =	strace s4  }
0x96: {  	s4 =	sld [smem:$0x3FFD];
	_ =	sdelay $0x3  }
0x97: {  	_ =	strace s4  }
0x98: {  	_ =	strace $0x8FFFFFFF  }
0x99: {  	s19 =	sld [smem:$0x3FDB];
	_ =	sdelay $0x1  }
0x9a: {  	s5 =	simm.s32 $_scs_section_size  }
0x9b: {  	s6 =	simm.s32 $_size__tile_overlayer_lowered;
	s7 =	simm.s32 $_tile_overlayer_lowered  }
0x9c: {  	s22 =	simm.s32 $0x1BFF;
	s21 =	sshll.u32 s7, $0x1;
	s4 =	sadd.s32 s5, s19  }
0x9d: {  	s8 =	simm.s32 $0x0;
	s20 =	sshll.u32 s6, $0x1;
	s6 =	sadd.s32 s21, s4  }
0x9e: {  	[timem:s8], [sflag:s22] =	dma.local [hbm:s6], s20  }
0x9f: {  	_ =	swait.ge [sflag:s22], s20  }
0xa0: {  	s5 =	ssub.s32 $0x0, s20;
	[sflag:s22] =	ssyncset.done $0x0  }
0xa1: {  	[sflag:s22] =	ssyncadd.s32 s5;
	_ =	sdelay $0x1  }
0xa2: {  	s23 =	simm.s32 $0x1B8B  }
0xa3: {  	_ =	swait.ge [sflag:s23], $0x1  }
0xa4: {  	[sflag:s23] =	ssyncset.done $0x0  }
0xa5: {  	s25 =	simm.s32 $0x1B8E;
	s24 =	sld [smem:$0x3FFE];
	[sflag:s23] =	ssyncadd.s32 $0xFFFFFFFF  }
0xa6: {  	s26 =	simm.s32 $execute0_lowered;
	[smem:$0x3FD2] =	sst s25  }
0xa7: {  	s6 =	sshll.u32 s26, $0x1;
	_ =	strace $0x80000046;
	[dreg:$0x1] =	wrdreg $0xFFFFFFFF  }
0xa8: {  	s28 =	simm.s32 $_size_execute0_lowered;
	s4 =	sadd.s32 s4, s6;
	[dreg:$0x0] =	wrdreg $0x0  }
0xa9: {  	s6 =	sshll.u32 s28, $0x1;
	[dreg:$0x2] =	wrdreg s4  }
0xaa: {  	[dreg:$0x3] =	wrdreg s6  }
0xab: {  	[dreg:$0x4] =	wrdreg $0xC0  }
0xac: {  	_ =	task [dreg:s8], $0x5FFFF  }
0xad: {  	[dreg:$0x1] =	wrdreg $0xFFFFFFFF  }
0xae: {  	[dreg:$0x0] =	wrdreg $0x60  }
0xaf: {  	[dreg:$0x2] =	wrdreg s2  }
0xb0: {  	[dreg:$0x3] =	wrdreg s24  }
0xb1: {  	[dreg:$0x4] =	wrdreg s18  }
0xb2: {  	[dreg:$0x5] =	wrdreg $0xA4000  }
0xb3: {  	[dreg:$0x6] =	wrdreg $0x9  }
0xb4: {  	_ =	task.clear_ibuf [dreg:s8], $0x7FFFF;
	_ =	strace $0x90000046  }
0xb5: {  	s29 =	simm.s32 $0x9;
	_ =	strace $0x80000048  }
0xb6: {  	_ =	swait.ge [sflag:s29], $0x1  }
0xb7: {  	[sflag:s29] =	ssyncadd.s32 $0xFFFFFFFF  }
0xb8: {  	_ =	strace $0x90000048  }
0xb9: {  	_ =	sfence  }
0xba: {  	s30 =	sld [smem:$0x0];
	_ =	sdelay $0x2  }
0xbb: {  	s31 =	sshll.u32 s1, $0xD;
	s1 =	sshrl.u32 s1, $0x2  }
0xbc: {  	s3 =	sand.u32 $0x4000, s31;
	s1 =	sadd.s32 s1, s30  }
0xbd: {  	s0 =	sor.u32 s3, s0;
	s1 =	sshll.u32 s1, $0x11  }
0xbe: {  	s0 =	sor.u32 s1, s0  }
0xbf: {  	s0 =	sadd.s32 $0x8F2B, s0  }
0xc0: {  	[sflag:s0] =	ssyncadd.remote.s32 $0x1  }
0xc1: {  	_ =	sfence.sel $0xFFFF  }
0xc2: {  	[dreg:$0x0] =	wrdreg $0xFFFFFFFF;
	(pc) =	sbr.abs _section_cstart, $3  }
0xc3: {  	[dreg:$0x1] =	wrdreg $0xFFFFFFFF  }
0xc4: {  	_ =	task.clear_ibuf [dreg:s8], $0x2FFFF;
	_ =	strace $0x9FFFFFFF  }
0xc5: {  	(tm) =	ssettm $0x7FFFFFFF  }
tec
execute0_lowered:
.L_overlay_start_1:
0x0: {  	(tag) =	ssettag $0x1  }
0x1: {  	s9 =	rddreg [dreg:$0x0]  }
0x2: {  	s7 =	rddreg [dreg:$0x1]  }
0x3: {  	s10 =	rddreg [dreg:$0x2]  }
0x4: {  	s1 =	rddreg [dreg:$0x3]  }
0x5: {  	s0 =	rddreg [dreg:$0x4];
	s3 =	simm.s32 $0x0;
	s4 =	srdreg.scid  }
0x6: {  	s2 =	stileid.u32;
	s16 =	simm.s32 $0x8000;
	s17 =	simm.s32 $0x6400  }
0x7: {  	s18 =	simm.s32 $0x80;
	s19 =	simm.s32 $0x1;
	s20 =	simm.s32 $0x2  }
0x8: {  	s21 =	simm.s32 $0x0;
	[smem:$0x7FF] =	sst s3;
	s4 =	sand.u32 $0x1, s4  }
0x9: {  	s5 =	sshll.u32 s2, $0x8;
	s29 =	sshll.u32 s2, $0x10;
	s30 =	sshll.u32 s2, $0xD  }
0xa: {  	s31 =	sshll.u32 s2, $0x6;
	s15 =	sadd.s32 $0x100000, s1;
	p0 =	sne.s32 s2, $0xF  }
0xb: {  	s6 =	sshll.u32 s4, $0x7;
	s8 =	ssub.s32 $0x2, s4;
	_ =	strace $0x80000047  }
0xc: {  	s4 =	sadd.s32 $0x19600, s7;
	s14 =	sadd.s32 s29, s1;
	s11 =	sor.u32 s6, s5  }
0xd: {  	s28 =	sshrl.u32 s8, $0x1;
	s5 =	sadd.s32 s4, s30;
	s6 =	sor.u32 $0x1C03, s31  }
0xe: {  	s12 =	sadd.s32 s11, s7;
	s13 =	ssub.s32 s8, s28;
	s11 =	sshll.u32 s11, $0x4  }
0xf: {  	s7 =	sadd.s32 $0x39600, s7;
	s8 =	sadd.s32 $0x600, s12;
	s9 =	sadd.s32 s9, s11  }
0x10: {  	s10 =	sadd.s32 s10, s11;
	s11 =	smax.u32 s13, $0x1;
	s12 =	sshrl.u32 s14, $0x3  }
0x11: {  	s13 =	simm.s32 $0x3;
	s14 =	sshrl.u32 @!p0 s15, $0x3;
	s15 =	simm.s32 $0x400  }
.LBB2_1:
0x12: {  	[spmem:s12], [sflag:s6] =	dma.local [hbm:s5], $0x2000  }
0x13: {  	_ =	swait.ge [sflag:s13], $0x2000  }
0x14: {  	[sflag:s13] =	ssyncset.done $0x0  }
0x15: {  	s22 =	simm.s32 @!p0 $0x3;
	[sflag:s13] =	ssyncadd.s32 $0xFFFFE000  }
0x16: {  	[spmem:s14], [sflag:s6] =	dma.local @!p0 [hbm:s7], $0x10  }
0x17: {  	_ =	swait.ge @!p0 [sflag:s22], $0x10  }
0x18: {  	[sflag:s22] =	ssyncset.done @!p0 $0x0  }
0x19: {  	[sflag:s22] =	ssyncadd.s32 @!p0 $0xFFFFFFF0  }
0x1a: {  	[tilespmem:s3], [sflag:$0x3] =	stream.strided.gather [hbm4b:s8+s15], $0x6400, s16, s15, $0x38;
	[tilespmem:$0x1A408] =	vst v63  }
0x1b: {  	_ =	swait.ge [sflag:s13], $0x6400  }
0x1c: {  	[sflag:s13] =	ssyncset.done $0x0  }
0x1d: {  	[sflag:s13] =	ssyncadd.s32 $0xFFFF9C00  }
0x1e: {  	[tilespmem:s17], [sflag:$0x3] =	stream.linear.gather [hbm4b:s9+s3], $0x4000, $0x38;
	[tilespmem:$0x1A408] =	vst v63  }
0x1f: {  	_ =	swait.ge [sflag:s13], $0x4000  }
0x20: {  	[sflag:s13] =	ssyncset.done $0x0  }
0x21: {  	[sflag:s13] =	ssyncadd.s32 $0xFFFFC000  }
0x22: {  	s28 =	simm.s32 $0x0;
	[bflag:$0x0] =	sbarrier.arrive $0xFFFF  }
0x23: {  	[tilespmem:s17], [sflag:$0x1] =	stream.indirect.gather.add.f32 [hbm:s4], $0x80, s28, s18, $0xb8;
	[tilespmem:$0x1A408] =	vst v63  }
0x24: {  	s29 =	simm.s32 $0x80  }
0x25: {  	[tilespmem:s17], [sflag:$0x1] =	stream.indirect.gather.add.f32 [hbm:s4], $0x80, s29, s18, $0xb8;
	[tilespmem:$0x1A408] =	vst v63  }
0x26: {  	s30 =	simm.s32 $0x100  }
0x27: {  	[tilespmem:s17], [sflag:$0x1] =	stream.indirect.gather.add.f32 [hbm:s4], $0x80, s30, s18, $0xb8;
	[tilespmem:$0x1A408] =	vst v63  }
0x28: {  	s31 =	simm.s32 $0x180  }
0x29: {  	[tilespmem:s17], [sflag:$0x1] =	stream.indirect.gather.add.f32 [hbm:s4], $0x80, s31, s18, $0xb8;
	[tilespmem:$0x1A408] =	vst v63  }
0x2a: {  	s23 =	simm.s32 $0x200  }
0x2b: {  	[tilespmem:s17], [sflag:$0x1] =	stream.indirect.gather.add.f32 [hbm:s4], $0x80, s23, s18, $0xb8;
	[tilespmem:$0x1A408] =	vst v63  }
0x2c: {  	s24 =	simm.s32 $0x280  }
0x2d: {  	[tilespmem:s17], [sflag:$0x1] =	stream.indirect.gather.add.f32 [hbm:s4], $0x80, s24, s18, $0xb8;
	[tilespmem:$0x1A408] =	vst v63  }
0x2e: {  	s25 =	simm.s32 $0x300  }
0x2f: {  	[tilespmem:s17], [sflag:$0x1] =	stream.indirect.gather.add.f32 [hbm:s4], $0x80, s25, s18, $0xb8;
	[tilespmem:$0x1A408] =	vst v63  }
0x30: {  	s26 =	simm.s32 $0x380  }
0x31: {  	[tilespmem:s17], [sflag:$0x1] =	stream.indirect.gather.add.f32 [hbm:s4], $0x80, s26, s18, $0xb8;
	[tilespmem:$0x1A408] =	vst v63  }
0x32: {  	s28 =	simm.s32 $0x400  }
0x33: {  	[tilespmem:s17], [sflag:$0x1] =	stream.indirect.gather.add.f32 [hbm:s4], $0x80, s28, s18, $0xb8;
	[tilespmem:$0x1A408] =	vst v63  }
0x34: {  	s29 =	simm.s32 $0x480  }
0x35: {  	[tilespmem:s17], [sflag:$0x2] =	stream.indirect.gather.add.f32 [spmem:s1], $0x80, s29, s18, $0xb8;
	[tilespmem:$0x1A408] =	vst v63  }
0x36: {  	s30 =	simm.s32 $0x500  }
0x37: {  	[tilespmem:s17], [sflag:$0x2] =	stream.indirect.gather.add.f32 [spmem:s1], $0x80, s30, s18, $0xb8;
	[tilespmem:$0x1A408] =	vst v63  }
0x38: {  	s31 =	simm.s32 $0x580  }
0x39: {  	[tilespmem:s17], [sflag:$0x2] =	stream.indirect.gather.add.f32 [spmem:s1], $0x80, s31, s18, $0xb8;
	[tilespmem:$0x1A408] =	vst v63  }
0x3a: {  	s23 =	simm.s32 $0x600  }
0x3b: {  	[tilespmem:s17], [sflag:$0x2] =	stream.indirect.gather.add.f32 [spmem:s1], $0x80, s23, s18, $0xb8;
	[tilespmem:$0x1A408] =	vst v63  }
0x3c: {  	s24 =	simm.s32 $0x680  }
0x3d: {  	[tilespmem:s17], [sflag:$0x2] =	stream.indirect.gather.add.f32 [spmem:s1], $0x80, s24, s18, $0xb8;
	[tilespmem:$0x1A408] =	vst v63  }
0x3e: {  	s25 =	simm.s32 $0x700  }
0x3f: {  	[tilespmem:s17], [sflag:$0x2] =	stream.indirect.gather.add.f32 [spmem:s1], $0x80, s25, s18, $0xb8;
	[tilespmem:$0x1A408] =	vst v63  }
0x40: {  	s26 =	simm.s32 $0x780  }
0x41: {  	[tilespmem:s17], [sflag:$0x2] =	stream.indirect.gather.add.f32 [spmem:s1], $0x80, s26, s18, $0xb8;
	[tilespmem:$0x1A408] =	vst v63  }
0x42: {  	s28 =	simm.s32 $0x800  }
0x43: {  	[tilespmem:s17], [sflag:$0x2] =	stream.indirect.gather.add.f32 [spmem:s1], $0x80, s28, s18, $0xb8;
	[tilespmem:$0x1A408] =	vst v63  }
0x44: {  	s29 =	simm.s32 $0x880  }
0x45: {  	[tilespmem:s17], [sflag:$0x2] =	stream.indirect.gather.add.f32 [spmem:s1], $0x80, s29, s18, $0xb8;
	[tilespmem:$0x1A408] =	vst v63  }
0x46: {  	p2 =	por $0x1, $0x1;
	s30 =	simm.s32 $0x900  }
0x47: {  	[tilespmem:s17], [sflag:$0x2] =	stream.indirect.gather.add.f32 [spmem:s1], $0x80, s30, s18, $0xb8;
	[tilespmem:$0x1A408] =	vst v63  }
0x48: {  	s22 =	simm.s32 @!p2 $0x1;
	s31 =	simm.s32 $0x980  }
0x49: {  	[tilespmem:s17], [sflag:$0x2] =	stream.indirect.gather.add.f32 [spmem:s1], $0x80, s31, s18, $0xb8;
	[tilespmem:$0x1A408] =	vst v63  }
0x4a: {  	_ =	swait.ge @!p2 [sflag:s22], $0x4000  }
0x4b: {  	[sflag:s22] =	ssyncset.done @!p2 $0x0  }
0x4c: {  	[sflag:s22] =	ssyncadd.s32 @!p2 $0xFFFFC000  }
0x4d: {  	_ =	swait.ge @!p2 [sflag:s22], $0x4000  }
0x4e: {  	[sflag:s22] =	ssyncset.done @!p2 $0x0  }
0x4f: {  	[sflag:s22] =	ssyncadd.s32 @!p2 $0xFFFFC000  }
0x50: {  	_ =	swait.ge @!p2 [sflag:s22], $0x4000  }
0x51: {  	[sflag:s22] =	ssyncset.done @!p2 $0x0  }
0x52: {  	[sflag:s22] =	ssyncadd.s32 @!p2 $0xFFFFC000  }
0x53: {  	_ =	swait.ge @!p2 [sflag:s22], $0x4000  }
0x54: {  	[sflag:s22] =	ssyncset.done @!p2 $0x0  }
0x55: {  	[sflag:s22] =	ssyncadd.s32 @!p2 $0xFFFFC000  }
0x56: {  	_ =	swait.ge @!p2 [sflag:s22], $0x4000  }
0x57: {  	[sflag:s22] =	ssyncset.done @!p2 $0x0  }
0x58: {  	[sflag:s22] =	ssyncadd.s32 @!p2 $0xFFFFC000  }
0x59: {  	_ =	swait.ge @!p2 [sflag:s22], $0x4000  }
0x5a: {  	[sflag:s22] =	ssyncset.done @!p2 $0x0  }
0x5b: {  	[sflag:s22] =	ssyncadd.s32 @!p2 $0xFFFFC000  }
0x5c: {  	_ =	swait.ge @!p2 [sflag:s22], $0x4000  }
0x5d: {  	[sflag:s22] =	ssyncset.done @!p2 $0x0  }
0x5e: {  	[sflag:s22] =	ssyncadd.s32 @!p2 $0xFFFFC000  }
0x5f: {  	_ =	swait.ge @!p2 [sflag:s22], $0x4000  }
0x60: {  	[sflag:s22] =	ssyncset.done @!p2 $0x0  }
0x61: {  	[sflag:s22] =	ssyncadd.s32 @!p2 $0xFFFFC000  }
0x62: {  	_ =	swait.ge @!p2 [sflag:s22], $0x4000  }
0x63: {  	[sflag:s22] =	ssyncset.done @!p2 $0x0  }
0x64: {  	s23 =	simm.s32 @!p2 $0x2;
	[sflag:s22] =	ssyncadd.s32 @!p2 $0xFFFFC000  }
0x65: {  	_ =	swait.ge @!p2 [sflag:s23], $0x4000  }
0x66: {  	[sflag:s23] =	ssyncset.done @!p2 $0x0  }
0x67: {  	[sflag:s23] =	ssyncadd.s32 @!p2 $0xFFFFC000  }
0x68: {  	_ =	swait.ge @!p2 [sflag:s23], $0x4000  }
0x69: {  	[sflag:s23] =	ssyncset.done @!p2 $0x0  }
0x6a: {  	[sflag:s23] =	ssyncadd.s32 @!p2 $0xFFFFC000  }
0x6b: {  	_ =	swait.ge @!p2 [sflag:s23], $0x4000  }
0x6c: {  	[sflag:s23] =	ssyncset.done @!p2 $0x0  }
0x6d: {  	[sflag:s23] =	ssyncadd.s32 @!p2 $0xFFFFC000  }
0x6e: {  	_ =	swait.ge @!p2 [sflag:s23], $0x4000  }
0x6f: {  	[sflag:s23] =	ssyncset.done @!p2 $0x0  }
0x70: {  	[sflag:s23] =	ssyncadd.s32 @!p2 $0xFFFFC000  }
0x71: {  	_ =	swait.ge @!p2 [sflag:s23], $0x4000  }
0x72: {  	[sflag:s23] =	ssyncset.done @!p2 $0x0  }
0x73: {  	[sflag:s23] =	ssyncadd.s32 @!p2 $0xFFFFC000  }
0x74: {  	_ =	swait.ge @!p2 [sflag:s23], $0x4000  }
0x75: {  	[sflag:s23] =	ssyncset.done @!p2 $0x0  }
0x76: {  	[sflag:s23] =	ssyncadd.s32 @!p2 $0xFFFFC000  }
0x77: {  	_ =	swait.ge @!p2 [sflag:s23], $0x4000  }
0x78: {  	[sflag:s23] =	ssyncset.done @!p2 $0x0  }
0x79: {  	[sflag:s23] =	ssyncadd.s32 @!p2 $0xFFFFC000  }
0x7a: {  	_ =	swait.ge @!p2 [sflag:s23], $0x4000  }
0x7b: {  	[sflag:s23] =	ssyncset.done @!p2 $0x0  }
0x7c: {  	[sflag:s23] =	ssyncadd.s32 @!p2 $0xFFFFC000  }
0x7d: {  	_ =	swait.ge @!p2 [sflag:s23], $0x4000  }
0x7e: {  	[sflag:s23] =	ssyncset.done @!p2 $0x0  }
0x7f: {  	[sflag:s23] =	ssyncadd.s32 @!p2 $0xFFFFC000  }
0x80: {  	_ =	swait.ge @!p2 [sflag:s23], $0x4000  }
0x81: {  	[sflag:s23] =	ssyncset.done @!p2 $0x0  }
0x82: {  	[sflag:s23] =	ssyncadd.s32 @!p2 $0xFFFFC000  }
0x83: {  	s22 =	simm.s32 $0x2800;
	_ =	swait.ge @!p2 [sflag:s23], $0x4000  }
.LBB2_2:
0x84: {  	[sflag:s23] =	ssyncset.done @!p2 $0x0;
	s24 =	smov.u32 s22;
	s22 =	sadd.s32 $0x2800, s22  }
0x85: {  	s25 =	sshra.s32 s24, $0x2;
	p1 =	sne.s32 s22, $0x19000;
	[sflag:s23] =	ssyncadd.s32 @!p2 $0xFFFFC000  }
0x86: {  	[tilespmem:s17], [sflag:$0x1] =	stream.indirect.gather.add.f32 [hbm:s4], $0x80, s25, s18, $0xb8;
	[tilespmem:$0x1A408] =	vst v63  }
0x87: {  	s23 =	sadd.s32 $0x80, s25  }
0x88: {  	[tilespmem:s17], [sflag:$0x1] =	stream.indirect.gather.add.f32 [hbm:s4], $0x80, s23, s18, $0xb8;
	[tilespmem:$0x1A408] =	vst v63  }
0x89: {  	s23 =	sadd.s32 $0x100, s25  }
0x8a: {  	[tilespmem:s17], [sflag:$0x1] =	stream.indirect.gather.add.f32 [hbm:s4], $0x80, s23, s18, $0xb8;
	[tilespmem:$0x1A408] =	vst v63  }
0x8b: {  	s23 =	sadd.s32 $0x180, s25  }
0x8c: {  	[tilespmem:s17], [sflag:$0x1] =	stream.indirect.gather.add.f32 [hbm:s4], $0x80, s23, s18, $0xb8;
	[tilespmem:$0x1A408] =	vst v63  }
0x8d: {  	s23 =	sadd.s32 $0x200, s25  }
0x8e: {  	[tilespmem:s17], [sflag:$0x1] =	stream.indirect.gather.add.f32 [hbm:s4], $0x80, s23, s18, $0xb8;
	[tilespmem:$0x1A408] =	vst v63  }
0x8f: {  	s23 =	sadd.s32 $0x280, s25  }
0x90: {  	[tilespmem:s17], [sflag:$0x1] =	stream.indirect.gather.add.f32 [hbm:s4], $0x80, s23, s18, $0xb8;
	[tilespmem:$0x1A408] =	vst v63  }
0x91: {  	s23 =	sadd.s32 $0x300, s25  }
0x92: {  	[tilespmem:s17], [sflag:$0x1] =	stream.indirect.gather.add.f32 [hbm:s4], $0x80, s23, s18, $0xb8;
	[tilespmem:$0x1A408] =	vst v63  }
0x93: {  	s23 =	sadd.s32 $0x380, s25  }
0x94: {  	[tilespmem:s17], [sflag:$0x1] =	stream.indirect.gather.add.f32 [hbm:s4], $0x80, s23, s18, $0xb8;
	[tilespmem:$0x1A408] =	vst v63  }
0x95: {  	s23 =	sadd.s32 $0x400, s25  }
0x96: {  	[tilespmem:s17], [sflag:$0x1] =	stream.indirect.gather.add.f32 [hbm:s4], $0x80, s23, s18, $0xb8;
	[tilespmem:$0x1A408] =	vst v63  }
0x97: {  	s23 =	sadd.s32 $0x480, s25  }
0x98: {  	[tilespmem:s17], [sflag:$0x2] =	stream.indirect.gather.add.f32 [spmem:s1], $0x80, s23, s18, $0xb8;
	[tilespmem:$0x1A408] =	vst v63  }
0x99: {  	s23 =	sadd.s32 $0x500, s25  }
0x9a: {  	[tilespmem:s17], [sflag:$0x2] =	stream.indirect.gather.add.f32 [spmem:s1], $0x80, s23, s18, $0xb8;
	[tilespmem:$0x1A408] =	vst v63  }
0x9b: {  	s23 =	sadd.s32 $0x580, s25  }
0x9c: {  	[tilespmem:s17], [sflag:$0x2] =	stream.indirect.gather.add.f32 [spmem:s1], $0x80, s23, s18, $0xb8;
	[tilespmem:$0x1A408] =	vst v63  }
0x9d: {  	s23 =	sadd.s32 $0x600, s25  }
0x9e: {  	[tilespmem:s17], [sflag:$0x2] =	stream.indirect.gather.add.f32 [spmem:s1], $0x80, s23, s18, $0xb8;
	[tilespmem:$0x1A408] =	vst v63  }
0x9f: {  	s23 =	sadd.s32 $0x680, s25  }
0xa0: {  	[tilespmem:s17], [sflag:$0x2] =	stream.indirect.gather.add.f32 [spmem:s1], $0x80, s23, s18, $0xb8;
	[tilespmem:$0x1A408] =	vst v63  }
0xa1: {  	s23 =	sadd.s32 $0x700, s25  }
0xa2: {  	[tilespmem:s17], [sflag:$0x2] =	stream.indirect.gather.add.f32 [spmem:s1], $0x80, s23, s18, $0xb8;
	[tilespmem:$0x1A408] =	vst v63  }
0xa3: {  	s23 =	sadd.s32 $0x780, s25  }
0xa4: {  	[tilespmem:s17], [sflag:$0x2] =	stream.indirect.gather.add.f32 [spmem:s1], $0x80, s23, s18, $0xb8;
	[tilespmem:$0x1A408] =	vst v63  }
0xa5: {  	s23 =	sadd.s32 $0x800, s25  }
0xa6: {  	[tilespmem:s17], [sflag:$0x2] =	stream.indirect.gather.add.f32 [spmem:s1], $0x80, s23, s18, $0xb8;
	[tilespmem:$0x1A408] =	vst v63  }
0xa7: {  	s23 =	sadd.s32 $0x880, s25  }
0xa8: {  	[tilespmem:s17], [sflag:$0x2] =	stream.indirect.gather.add.f32 [spmem:s1], $0x80, s23, s18, $0xb8;
	[tilespmem:$0x1A408] =	vst v63  }
0xa9: {  	s23 =	sadd.s32 $0x900, s25  }
0xaa: {  	[tilespmem:s17], [sflag:$0x2] =	stream.indirect.gather.add.f32 [spmem:s1], $0x80, s23, s18, $0xb8;
	[tilespmem:$0x1A408] =	vst v63  }
0xab: {  	p2 =	seq.s32 s24, $0x0;
	s23 =	sadd.s32 $0x980, s25  }
0xac: {  	[tilespmem:s17], [sflag:$0x2] =	stream.indirect.gather.add.f32 [spmem:s1], $0x80, s23, s18, $0xb8;
	[tilespmem:$0x1A408] =	vst v63  }
0xad: {  	s24 =	simm.s32 @!p2 $0x1  }
0xae: {  	_ =	swait.ge @!p2 [sflag:s24], $0x4000  }
0xaf: {  	[sflag:s24] =	ssyncset.done @!p2 $0x0  }
0xb0: {  	[sflag:s24] =	ssyncadd.s32 @!p2 $0xFFFFC000  }
0xb1: {  	_ =	swait.ge @!p2 [sflag:s24], $0x4000  }
0xb2: {  	[sflag:s24] =	ssyncset.done @!p2 $0x0  }
0xb3: {  	[sflag:s24] =	ssyncadd.s32 @!p2 $0xFFFFC000  }
0xb4: {  	_ =	swait.ge @!p2 [sflag:s24], $0x4000  }
0xb5: {  	[sflag:s24] =	ssyncset.done @!p2 $0x0  }
0xb6: {  	[sflag:s24] =	ssyncadd.s32 @!p2 $0xFFFFC000  }
0xb7: {  	_ =	swait.ge @!p2 [sflag:s24], $0x4000  }
0xb8: {  	[sflag:s24] =	ssyncset.done @!p2 $0x0  }
0xb9: {  	[sflag:s24] =	ssyncadd.s32 @!p2 $0xFFFFC000  }
0xba: {  	_ =	swait.ge @!p2 [sflag:s24], $0x4000  }
0xbb: {  	[sflag:s24] =	ssyncset.done @!p2 $0x0  }
0xbc: {  	[sflag:s24] =	ssyncadd.s32 @!p2 $0xFFFFC000  }
0xbd: {  	_ =	swait.ge @!p2 [sflag:s24], $0x4000  }
0xbe: {  	[sflag:s24] =	ssyncset.done @!p2 $0x0  }
0xbf: {  	[sflag:s24] =	ssyncadd.s32 @!p2 $0xFFFFC000  }
0xc0: {  	_ =	swait.ge @!p2 [sflag:s24], $0x4000  }
0xc1: {  	[sflag:s24] =	ssyncset.done @!p2 $0x0  }
0xc2: {  	[sflag:s24] =	ssyncadd.s32 @!p2 $0xFFFFC000  }
0xc3: {  	_ =	swait.ge @!p2 [sflag:s24], $0x4000  }
0xc4: {  	[sflag:s24] =	ssyncset.done @!p2 $0x0  }
0xc5: {  	[sflag:s24] =	ssyncadd.s32 @!p2 $0xFFFFC000  }
0xc6: {  	_ =	swait.ge @!p2 [sflag:s24], $0x4000  }
0xc7: {  	s23 =	simm.s32 @!p2 $0x2;
	[sflag:s24] =	ssyncset.done @!p2 $0x0  }
0xc8: {  	[sflag:s24] =	ssyncadd.s32 @!p2 $0xFFFFC000  }
0xc9: {  	_ =	swait.ge @!p2 [sflag:s23], $0x4000  }
0xca: {  	[sflag:s23] =	ssyncset.done @!p2 $0x0  }
0xcb: {  	[sflag:s23] =	ssyncadd.s32 @!p2 $0xFFFFC000  }
0xcc: {  	_ =	swait.ge @!p2 [sflag:s23], $0x4000  }
0xcd: {  	[sflag:s23] =	ssyncset.done @!p2 $0x0  }
0xce: {  	[sflag:s23] =	ssyncadd.s32 @!p2 $0xFFFFC000  }
0xcf: {  	_ =	swait.ge @!p2 [sflag:s23], $0x4000  }
0xd0: {  	[sflag:s23] =	ssyncset.done @!p2 $0x0  }
0xd1: {  	[sflag:s23] =	ssyncadd.s32 @!p2 $0xFFFFC000  }
0xd2: {  	_ =	swait.ge @!p2 [sflag:s23], $0x4000  }
0xd3: {  	[sflag:s23] =	ssyncset.done @!p2 $0x0  }
0xd4: {  	[sflag:s23] =	ssyncadd.s32 @!p2 $0xFFFFC000  }
0xd5: {  	_ =	swait.ge @!p2 [sflag:s23], $0x4000  }
0xd6: {  	[sflag:s23] =	ssyncset.done @!p2 $0x0  }
0xd7: {  	[sflag:s23] =	ssyncadd.s32 @!p2 $0xFFFFC000  }
0xd8: {  	_ =	swait.ge @!p2 [sflag:s23], $0x4000  }
0xd9: {  	[sflag:s23] =	ssyncset.done @!p2 $0x0  }
0xda: {  	[sflag:s23] =	ssyncadd.s32 @!p2 $0xFFFFC000  }
0xdb: {  	_ =	swait.ge @!p2 [sflag:s23], $0x4000  }
0xdc: {  	[sflag:s23] =	ssyncset.done @!p2 $0x0  }
0xdd: {  	[sflag:s23] =	ssyncadd.s32 @!p2 $0xFFFFC000  }
0xde: {  	_ =	swait.ge @!p2 [sflag:s23], $0x4000  }
0xdf: {  	[sflag:s23] =	ssyncset.done @!p2 $0x0  }
0xe0: {  	[sflag:s23] =	ssyncadd.s32 @!p2 $0xFFFFC000  }
0xe1: {  	_ =	swait.ge @!p2 [sflag:s23], $0x4000  }
0xe2: {  	[sflag:s23] =	ssyncset.done @!p2 $0x0  }
.Ltmp0:
0xe3: {  	[sflag:s23] =	ssyncadd.s32 @!p2 $0xFFFFC000;
	(pc) =	sbr.rel @p1 .LBB2_2-.Ltmp0, $4  }
0xe4: {  	_ =	swait.ge @!p2 [sflag:s23], $0x4000  }
0xe5: {  	[sflag:s23] =	ssyncset.done @!p2 $0x0  }
0xe6: {  	[sflag:s23] =	ssyncadd.s32 @!p2 $0xFFFFC000  }
0xe7: {  	_ =	swait.ge @!p2 [sflag:s23], $0x4000  }
0xe8: {  	[sflag:s23] =	ssyncset.done @!p2 $0x0  }
0xe9: {  	[sflag:s23] =	ssyncadd.s32 @!p2 $0xFFFFC000  }
0xea: {  	_ =	swait.ge [sflag:s19], $0x4000  }
0xeb: {  	[sflag:s19] =	ssyncset.done $0x0  }
0xec: {  	[sflag:s19] =	ssyncadd.s32 $0xFFFFC000  }
0xed: {  	_ =	swait.ge [sflag:s19], $0x4000  }
0xee: {  	[sflag:s19] =	ssyncset.done $0x0  }
0xef: {  	[sflag:s19] =	ssyncadd.s32 $0xFFFFC000  }
0xf0: {  	_ =	swait.ge [sflag:s19], $0x4000  }
0xf1: {  	[sflag:s19] =	ssyncset.done $0x0  }
0xf2: {  	[sflag:s19] =	ssyncadd.s32 $0xFFFFC000  }
0xf3: {  	_ =	swait.ge [sflag:s19], $0x4000  }
0xf4: {  	[sflag:s19] =	ssyncset.done $0x0  }
0xf5: {  	[sflag:s19] =	ssyncadd.s32 $0xFFFFC000  }
0xf6: {  	_ =	swait.ge [sflag:s19], $0x4000  }
0xf7: {  	[sflag:s19] =	ssyncset.done $0x0  }
0xf8: {  	[sflag:s19] =	ssyncadd.s32 $0xFFFFC000  }
0xf9: {  	_ =	swait.ge [sflag:s19], $0x4000  }
0xfa: {  	[sflag:s19] =	ssyncset.done $0x0  }
0xfb: {  	[sflag:s19] =	ssyncadd.s32 $0xFFFFC000  }
0xfc: {  	_ =	swait.ge [sflag:s19], $0x4000  }
0xfd: {  	[sflag:s19] =	ssyncset.done $0x0  }
0xfe: {  	[sflag:s19] =	ssyncadd.s32 $0xFFFFC000  }
0xff: {  	_ =	swait.ge [sflag:s19], $0x4000  }
0x100: {  	[sflag:s19] =	ssyncset.done $0x0  }
0x101: {  	[sflag:s19] =	ssyncadd.s32 $0xFFFFC000  }
0x102: {  	_ =	swait.ge [sflag:s19], $0x4000  }
0x103: {  	[sflag:s19] =	ssyncset.done $0x0  }
0x104: {  	[sflag:s19] =	ssyncadd.s32 $0xFFFFC000  }
0x105: {  	_ =	swait.ge [sflag:s20], $0x4000  }
0x106: {  	[sflag:s20] =	ssyncset.done $0x0  }
0x107: {  	[sflag:s20] =	ssyncadd.s32 $0xFFFFC000  }
0x108: {  	_ =	swait.ge [sflag:s20], $0x4000  }
0x109: {  	[sflag:s20] =	ssyncset.done $0x0  }
0x10a: {  	[sflag:s20] =	ssyncadd.s32 $0xFFFFC000  }
0x10b: {  	_ =	swait.ge [sflag:s20], $0x4000  }
0x10c: {  	[sflag:s20] =	ssyncset.done $0x0  }
0x10d: {  	[sflag:s20] =	ssyncadd.s32 $0xFFFFC000  }
0x10e: {  	_ =	swait.ge [sflag:s20], $0x4000  }
0x10f: {  	[sflag:s20] =	ssyncset.done $0x0  }
0x110: {  	[sflag:s20] =	ssyncadd.s32 $0xFFFFC000  }
0x111: {  	_ =	swait.ge [sflag:s20], $0x4000  }
0x112: {  	[sflag:s20] =	ssyncset.done $0x0  }
0x113: {  	[sflag:s20] =	ssyncadd.s32 $0xFFFFC000  }
0x114: {  	_ =	swait.ge [sflag:s20], $0x4000  }
0x115: {  	[sflag:s20] =	ssyncset.done $0x0  }
0x116: {  	[sflag:s20] =	ssyncadd.s32 $0xFFFFC000  }
0x117: {  	_ =	swait.ge [sflag:s20], $0x4000  }
0x118: {  	[sflag:s20] =	ssyncset.done $0x0  }
0x119: {  	[sflag:s20] =	ssyncadd.s32 $0xFFFFC000  }
0x11a: {  	_ =	swait.ge [sflag:s20], $0x4000  }
0x11b: {  	[sflag:s20] =	ssyncset.done $0x0  }
0x11c: {  	[sflag:s20] =	ssyncadd.s32 $0xFFFFC000  }
0x11d: {  	_ =	swait.ge [sflag:s20], $0x4000  }
0x11e: {  	[sflag:s20] =	ssyncset.done $0x0  }
0x11f: {  	[sflag:s20] =	ssyncadd.s32 $0xFFFFC000  }
0x120: {  	_ =	swait.ge [sflag:s20], $0x4000  }
0x121: {  	[sflag:s20] =	ssyncset.done $0x0  }
0x122: {  	[sflag:s20] =	ssyncadd.s32 $0xFFFFC000  }
0x123: {  	s21 =	sadd.s32 $0x1, s21;
	_ =	swait.ge [sflag:s20], $0x4000  }
0x124: {  	p1 =	sne.s32 s21, s11;
	[sflag:s20] =	ssyncset.done $0x0  }
.Ltmp1:
0x125: {  	[sflag:s20] =	ssyncadd.s32 $0xFFFFC000;
	(pc) =	sbr.rel @p1 .LBB2_1-.Ltmp1, $4  }
0x126: {  	[hbm4b:s10+s3] =	stream.linear.scatter [tilespmem:s17], [sflag:$0x3], $0x4000, $0x38;
	[tilespmem:$0x1A408] =	vst v63  }
0x127: {  	_ =	swait.ge [sflag:s13], $0x4000  }
0x128: {  	[sflag:s13] =	ssyncset.done $0x0  }
0x129: {  	[sflag:s13] =	ssyncadd.s32 $0xFFFFC000  }
0x12a: {  	_ =	sfence.sel $0x180000  }
0x12b: {  	[bflag:$0x0] =	sbarrier.arrive $0xFFFF  }
0x12c: {  	p0 =	sne.s32 s2, $0x0;
	_ =	strace $0x90000047  }
0x12d: {  	s0 =	sadd.s32 @!p0 $0x100000, s0;
	[bflag:$0x2] =	sbarrier.arrive $0xFFFF  }
0x12e: {  	[sflag:s0] =	ssyncadd.tile.s32 @!p0 $0x1;
	_ =	shalt  }
.Lfunc_end2:
_tile_overlayer_lowered:
.L_overlay_start_2:
0x12f: {  	(tag) =	ssettag $0x2  }
0x130: {  	s0 =	rddreg [dreg:$0x0];
	s2 =	stileid.u32  }
0x131: {  	s1 =	rddreg [dreg:$0x1];
	p0 =	sne.s32 s2, $0x0  }
0x132: {  	s3 =	rddreg [dreg:$0x2];
	[bflag:$0x3] =	sbarrier.arrive $0xFFFF;
	s2 =	simm.s32 @!p0 $0x1C03  }
0x133: {  	[timem:s3], [sflag:s2] =	dma.local @!p0 [hbm:s0], s1  }
0x134: {  	s0 =	simm.s32 @!p0 $0x3  }
0x135: {  	_ =	swait.ge @!p0 [sflag:s0], s1  }
0x136: {  	s1 =	ssub.s32 @!p0 $0x0, s1;
	[sflag:s0] =	ssyncset.done @!p0 $0x0  }
0x137: {  	[sflag:s0] =	ssyncadd.s32 @!p0 s1  }
0x138: {  	[bflag:$0x3] =	sbarrier.arrive $0xFFFF  }
0x139: {  	_ =	shalt  }

</sc_bundles>
